<compile_context>
chip_gen: v7x
topology: tpu7x:2x2x1
jax: 0.10.2.dev20260603
libtpu: 0.0.44.dev20260713+nightly
codegen_flags: <defaults>
</compile_context>

<pallas_src>
import dataclasses
import functools

import jax
import jax.numpy as jnp
from jax import lax
from jax.experimental import pallas as pl
from jax.experimental.pallas import tpu as pltpu
from jax.experimental.pallas import tpu_sc as plsc

TOPK = 50
ROWS = 16384
COLS = 1000
BLOCK_ROWS = 512

_NEG_INF = float("-inf")

_SC_CORES = 2
_SC_SUBCORES = 16
_SC_WORKERS = _SC_CORES * _SC_SUBCORES
_SC_LANES = 16
_TAB_PAD = 1024

_N_IDX = ROWS * TOPK
_IDX_PER_W = _N_IDX // _SC_WORKERS


def _topk_body(xt_ref, conf_ref, idx_ref):
    x = xt_ref[...]
    iota = lax.broadcasted_iota(jnp.int32, x.shape, 0).astype(jnp.float32)
    for j in range(TOPK):
        m = jnp.max(x, axis=0)
        cand = jnp.where(x == m[None, :], iota, float(COLS + 1))
        idx = jnp.min(cand, axis=0)
        hit = cand == idx[None, :]
        conf_ref[j, :] = m
        idx_ref[j, :] = idx.astype(jnp.int32)
        x = jnp.where(hit, _NEG_INF, x)


def _tc_topk(xt):
    grid = (ROWS // BLOCK_ROWS,)
    return pl.pallas_call(
        _topk_body,
        grid=grid,
        in_specs=[pl.BlockSpec((COLS, BLOCK_ROWS), lambda i: (0, i))],
        out_specs=[
            pl.BlockSpec((TOPK, BLOCK_ROWS), lambda i: (0, i)),
            pl.BlockSpec((TOPK, BLOCK_ROWS), lambda i: (0, i)),
        ],
        out_shape=[
            jax.ShapeDtypeStruct((TOPK, ROWS), jnp.float32),
            jax.ShapeDtypeStruct((TOPK, ROWS), jnp.int32),
        ],
    )(xt)


def _sc_label_gather(table_pad, idx_flat):
    mesh = plsc.VectorSubcoreMesh(core_axis_name="c", subcore_axis_name="s")
    cp = pltpu.CompilerParams()
    if "needs_layout_passes" in pltpu.CompilerParams.__dataclass_fields__:
        cp = dataclasses.replace(cp, needs_layout_passes=False)

    @functools.partial(
        pl.kernel,
        mesh=mesh,
        compiler_params=cp,
        out_type=jax.ShapeDtypeStruct((_N_IDX,), jnp.int32),
        scratch_types=[
            pltpu.VMEM((_TAB_PAD,), jnp.int32),
            pltpu.VMEM((_IDX_PER_W,), jnp.int32),
            pltpu.VMEM((_IDX_PER_W,), jnp.int32),
        ],
    )
    def k(tab_hbm, idx_hbm, out_hbm, tab_v, idx_v, out_v):
        wid = lax.axis_index("s") * _SC_CORES + lax.axis_index("c")
        base = wid * _IDX_PER_W
        pltpu.sync_copy(tab_hbm, tab_v)
        pltpu.sync_copy(idx_hbm.at[pl.ds(base, _IDX_PER_W)], idx_v)

        @pl.loop(0, _IDX_PER_W, step=_SC_LANES)
        def _(i):
            iv = idx_v[pl.ds(i, _SC_LANES)]
            out_v[pl.ds(i, _SC_LANES)] = plsc.load_gather(tab_v, [iv])

        pltpu.sync_copy(out_v, out_hbm.at[pl.ds(base, _IDX_PER_W)])

    return k(table_pad, idx_flat)


@jax.jit
def kernel(x, label_ids):
    conf_t, idx_t = _tc_topk(x.T)
    conf = conf_t.T
    idx = idx_t.T
    table_pad = jnp.pad(label_ids, (0, _TAB_PAD - COLS))
    labels = _sc_label_gather(table_pad, idx.reshape(_N_IDX))
    return conf, labels.reshape(ROWS, TOPK)

# --- scband reference (transcript-rebuilt; emitter-appended) ---
"""Pipeline reference for scband-output-mapper-layer-20349555048605 (READ-ONLY COPY).

The authoritative reference and input builder live on the scoring server;
editing this copy changes nothing except your own understanding.
"""

import jax, jax.numpy as jnp
import numpy as np

TOP_N = 50
BATCH = 16384
NUM_LABELS = 1000


def setup_inputs(seed: int = 0) -> dict:
    key = jax.random.key(seed)
    x = jax.random.normal(key, (BATCH, NUM_LABELS), dtype=jnp.float32)
    # String taxonomy labels are represented as integer label ids (jnp has no string dtype).
    label_ids = jnp.arange(NUM_LABELS, dtype=jnp.int32)
    return {"x": x, "label_ids": label_ids}


def reference(x, label_ids):
    batch_size = x.shape[0]
    # tf.tile(tf_labels, [batch_size, 1])
    tiled_labels = jnp.tile(label_ids[None, :], (batch_size, 1))
    # tf.nn.top_k(x, k=top_n, sorted=True).indices
    _, top_idx = jax.lax.top_k(x, TOP_N)
    # tf.gather(x, top_n, batch_dims=1)
    top_conf = jnp.take_along_axis(x, top_idx, axis=1)
    # tf.gather(tf_labels, top_n, batch_dims=1)
    top_labels = jnp.take_along_axis(tiled_labels, top_idx, axis=1)
    return top_conf, top_labels

if __name__ == "__main__":
    import jax
    _d = setup_inputs()
    print(jax.jit(kernel)(*tuple(_d.values())))

</pallas_src>

<mosaic_0001>
#map = affine_map<(d0, d1) -> (0)>
module attributes {stable_mosaic.version = 14 : i64} {
  func.func @k(%arg0: i32, %arg1: i32, %arg2: memref<1024xi32, #tpu.memory_space<hbm>>, %arg3: memref<819200xi32, #tpu.memory_space<hbm>>, %arg4: memref<819200xi32, #tpu.memory_space<hbm>>, %arg5: memref<1024xi32, #tpu.memory_space<vmem>>, %arg6: memref<25600xi32, #tpu.memory_space<vmem>>, %arg7: memref<25600xi32, #tpu.memory_space<vmem>>) attributes {dimension_semantics = [#tpu.dimension_semantics<core_parallel>, #tpu.dimension_semantics<subcore_parallel>], iteration_bounds = array<i64: 2, 16>, scalar_prefetch = 0 : i64, scratch_operands = 3 : i64, tpu.core_type = #tpu.core_type<sc_vector_subcore>, window_params = [{transform_indices = #map}, {transform_indices = #map}, {transform_indices = #map}]} {
    %mul3A = arith.constant 2 : i32
    %mul3A_0 = arith.muli %arg1, %mul3A : i32
    %add3A = arith.addi %mul3A_0, %arg0 : i32
    %mul3A_1 = arith.constant 25600 : i32
    %mul3A_2 = arith.muli %add3A, %mul3A_1 : i32
    "tpu.region"() ({
      %run_scoped3A = tpu.sem_alloc : memref<!tpu.dma_semaphore, #tpu.memory_space<semaphore_mem>>
      tpu.enqueue_dma source(%arg2 : memref<1024xi32, #tpu.memory_space<hbm>>) target(%arg5 : memref<1024xi32, #tpu.memory_space<vmem>>) target_semaphore(%run_scoped3A : memref<!tpu.dma_semaphore, #tpu.memory_space<semaphore_mem>>)
      tpu.wait_dma2 semaphore(%run_scoped3A : memref<!tpu.dma_semaphore, #tpu.memory_space<semaphore_mem>>) src(%arg2 : memref<1024xi32, #tpu.memory_space<hbm>>) dst(%arg5 : memref<1024xi32, #tpu.memory_space<vmem>>)
      tpu.yield
    }) : () -> ()
    "tpu.region"() ({
      %run_scoped3A = tpu.sem_alloc : memref<!tpu.dma_semaphore, #tpu.memory_space<semaphore_mem>>
      %dma_start3A = tpu.memref_slice %arg3[%mul3A_2] : memref<819200xi32, #tpu.memory_space<hbm>> -> memref<25600xi32, #tpu.memory_space<hbm>>
      %dma_start3A_7 = tpu.memref_slice %arg3[%mul3A_2] : memref<819200xi32, #tpu.memory_space<hbm>> -> memref<25600xi32, #tpu.memory_space<hbm>>
      tpu.enqueue_dma source(%dma_start3A_7 : memref<25600xi32, #tpu.memory_space<hbm>>) target(%arg6 : memref<25600xi32, #tpu.memory_space<vmem>>) target_semaphore(%run_scoped3A : memref<!tpu.dma_semaphore, #tpu.memory_space<semaphore_mem>>)
      %dma_wait3A = tpu.memref_slice %arg3[%mul3A_2] : memref<819200xi32, #tpu.memory_space<hbm>> -> memref<25600xi32, #tpu.memory_space<hbm>>
      %dma_wait3A_8 = tpu.memref_slice %arg3[%mul3A_2] : memref<819200xi32, #tpu.memory_space<hbm>> -> memref<25600xi32, #tpu.memory_space<hbm>>
      tpu.wait_dma2 semaphore(%run_scoped3A : memref<!tpu.dma_semaphore, #tpu.memory_space<semaphore_mem>>) src(%dma_wait3A_8 : memref<25600xi32, #tpu.memory_space<hbm>>) dst(%arg6 : memref<25600xi32, #tpu.memory_space<vmem>>)
      tpu.yield
    }) : () -> ()
    %scan3A = arith.constant 0 : i32
    %scan3A_3 = arith.constant 1600 : i32
    %scan3A_4 = arith.addi %scan3A, %scan3A_3 : i32
    %scan3A_5 = arith.constant 1 : i32
    scf.for %scan3A_7 = %scan3A to %scan3A_4 step %scan3A_5  : i32 {
      %mul3A_8 = arith.constant 16 : i32
      %mul3A_9 = arith.muli %scan3A_7, %mul3A_8 : i32
      %add3A_10 = arith.constant 0 : i32
      %add3A_11 = arith.addi %add3A_10, %mul3A_9 : i32
      %get3A = arith.index_cast %add3A_11 : i32 to index
      %get3A_12 = tpu.vector_load %arg6[%get3A] {strides = array<i32>} : memref<25600xi32, #tpu.memory_space<vmem>>, vector<16xi32>,
      %gather3A = tpu.vector_load_idx %arg5[%get3A_12] : memref<1024xi32, #tpu.memory_space<vmem>>[vector<16xi32>], vector<16xi32>,
      %swap3A = arith.index_cast %add3A_11 : i32 to index
      %swap3A_13 = tpu.vector_load %arg7[%swap3A] {strides = array<i32>} : memref<25600xi32, #tpu.memory_space<vmem>>, vector<16xi32>,
      tpu.vector_store %arg7[%swap3A], %gather3A {strides = array<i32>} : memref<25600xi32, #tpu.memory_space<vmem>>, vector<16xi32>,
    }
    %scan3A_6 = arith.constant 1600 : i32
    "tpu.region"() ({
      %run_scoped3A = tpu.sem_alloc : memref<!tpu.dma_semaphore, #tpu.memory_space<semaphore_mem>>
      %dma_start3A = tpu.memref_slice %arg4[%mul3A_2] : memref<819200xi32, #tpu.memory_space<hbm>> -> memref<25600xi32, #tpu.memory_space<hbm>>
      %dma_start3A_7 = tpu.memref_slice %arg4[%mul3A_2] : memref<819200xi32, #tpu.memory_space<hbm>> -> memref<25600xi32, #tpu.memory_space<hbm>>
      tpu.enqueue_dma source(%arg7 : memref<25600xi32, #tpu.memory_space<vmem>>) target(%dma_start3A_7 : memref<25600xi32, #tpu.memory_space<hbm>>) target_semaphore(%run_scoped3A : memref<!tpu.dma_semaphore, #tpu.memory_space<semaphore_mem>>)
      %dma_wait3A = tpu.memref_slice %arg4[%mul3A_2] : memref<819200xi32, #tpu.memory_space<hbm>> -> memref<25600xi32, #tpu.memory_space<hbm>>
      %dma_wait3A_8 = tpu.memref_slice %arg4[%mul3A_2] : memref<819200xi32, #tpu.memory_space<hbm>> -> memref<25600xi32, #tpu.memory_space<hbm>>
      tpu.wait_dma2 semaphore(%run_scoped3A : memref<!tpu.dma_semaphore, #tpu.memory_space<semaphore_mem>>) src(%arg7 : memref<25600xi32, #tpu.memory_space<vmem>>) dst(%dma_wait3A_8 : memref<25600xi32, #tpu.memory_space<hbm>>)
      tpu.yield
    }) : () -> ()
    return
  }
}

module attributes {stable_mosaic.version = 14 : i64} {
  func.func @_topk_body(%arg0: i32, %arg1: memref<1000x512xf32, #tpu.memory_space<vmem>>, %arg2: memref<50x512xf32, #tpu.memory_space<vmem>>, %arg3: memref<50x512xi32, #tpu.memory_space<vmem>>) attributes {dimension_semantics = [#tpu.dimension_semantics<arbitrary>], iteration_bounds = array<i64: 32>, scalar_prefetch = 0 : i64, scratch_operands = 0 : i64, tpu.core_type = #tpu.core_type<tc>, window_params = [{transform_indices = @transform_0, window_bounds = array<i64: 1000, 512>}, {transform_indices = @transform_1, window_bounds = array<i64: 50, 512>}, {transform_indices = @transform_2, window_bounds = array<i64: 50, 512>}]} {
    %get3A = arith.constant 0 : index
    %get3A_0 = arith.constant 0 : index
    %get3A_1 = vector.load %arg1[%get3A, %get3A_0] : memref<1000x512xf32, #tpu.memory_space<vmem>>, vector<1000x512xf32>
    %iota3A = tpu.iota {dimensions = array<i32: 0>} : vector<1000x512xi32>
    %convert_element_type3A = arith.sitofp %iota3A : vector<1000x512xi32> to vector<1000x512xf32>
    %reduce_max3A = arith.constant dense<0xFF800000> : vector<512xf32>
    %reduce_max3A_2 = vector.multi_reduction <maximumf>, %get3A_1, %reduce_max3A [0] : vector<1000x512xf32> to vector<512xf32>
    %broadcast_in_dim3A = vector.shape_cast %reduce_max3A_2 : vector<512xf32> to vector<1x512xf32>
    %eq3A = vector.broadcast %broadcast_in_dim3A : vector<1x512xf32> to vector<1000x512xf32>
    %eq3A_3 = arith.cmpf oeq, %get3A_1, %eq3A : vector<1000x512xf32>
    %jit3A = arith.constant 1.001000e+03 : f32
    %broadcast_in_dim3A_4 = vector.broadcast %jit3A : f32 to vector<1000x512xf32>
    %select_n3A = arith.select %eq3A_3, %convert_element_type3A, %broadcast_in_dim3A_4 : vector<1000x512xi1>, vector<1000x512xf32>
    %reduce_min3A = arith.constant dense<0x7F800000> : vector<512xf32>
    %reduce_min3A_5 = vector.multi_reduction <minimumf>, %select_n3A, %reduce_min3A [0] : vector<1000x512xf32> to vector<512xf32>
    %broadcast_in_dim3A_6 = vector.shape_cast %reduce_min3A_5 : vector<512xf32> to vector<1x512xf32>
    %eq3A_7 = vector.broadcast %broadcast_in_dim3A_6 : vector<1x512xf32> to vector<1000x512xf32>
    %eq3A_8 = arith.cmpf oeq, %select_n3A, %eq3A_7 : vector<1000x512xf32>
    %swap3A = arith.constant 0 : index
    %swap3A_9 = arith.constant 0 : index
    %swap3A_10 = vector.load %arg2[%swap3A, %swap3A_9] : memref<50x512xf32, #tpu.memory_space<vmem>>, vector<1x512xf32>
    %swap3A_11 = vector.shape_cast %swap3A_10 : vector<1x512xf32> to vector<512xf32>
    %swap3A_12 = vector.shape_cast %reduce_max3A_2 : vector<512xf32> to vector<1x512xf32>
    tpu.vector_store %arg2[%swap3A, %swap3A_9], %swap3A_12 {strides = array<i32>} : memref<50x512xf32, #tpu.memory_space<vmem>>, vector<1x512xf32>,
    %convert_element_type3A_13 = arith.fptosi %reduce_min3A_5 : vector<512xf32> to vector<512xi32>
    %swap3A_14 = arith.constant 0 : index
    %swap3A_15 = arith.constant 0 : index
    %swap3A_16 = vector.load %arg3[%swap3A_14, %swap3A_15] : memref<50x512xi32, #tpu.memory_space<vmem>>, vector<1x512xi32>
    %swap3A_17 = vector.shape_cast %swap3A_16 : vector<1x512xi32> to vector<512xi32>
    %swap3A_18 = vector.shape_cast %convert_element_type3A_13 : vector<512xi32> to vector<1x512xi32>
    tpu.vector_store %arg3[%swap3A_14, %swap3A_15], %swap3A_18 {strides = array<i32>} : memref<50x512xi32, #tpu.memory_space<vmem>>, vector<1x512xi32>,
    %jit3A_19 = arith.constant 0xFF800000 : f32
    %broadcast_in_dim3A_20 = vector.broadcast %jit3A_19 : f32 to vector<1000x512xf32>
    %select_n3A_21 = arith.select %eq3A_8, %broadcast_in_dim3A_20, %get3A_1 : vector<1000x512xi1>, vector<1000x512xf32>
    %reduce_max3A_22 = arith.constant dense<0xFF800000> : vector<512xf32>
    %reduce_max3A_23 = vector.multi_reduction <maximumf>, %select_n3A_21, %reduce_max3A_22 [0] : vector<1000x512xf32> to vector<512xf32>
    %broadcast_in_dim3A_24 = vector.shape_cast %reduce_max3A_23 : vector<512xf32> to vector<1x512xf32>
    %eq3A_25 = vector.broadcast %broadcast_in_dim3A_24 : vector<1x512xf32> to vector<1000x512xf32>
    %eq3A_26 = arith.cmpf oeq, %select_n3A_21, %eq3A_25 : vector<1000x512xf32>
    %jit3A_27 = arith.constant 1.001000e+03 : f32
    %broadcast_in_dim3A_28 = vector.broadcast %jit3A_27 : f32 to vector<1000x512xf32>
    %select_n3A_29 = arith.select %eq3A_26, %convert_element_type3A, %broadcast_in_dim3A_28 : vector<1000x512xi1>, vector<1000x512xf32>
    %reduce_min3A_30 = arith.constant dense<0x7F800000> : vector<512xf32>
    %reduce_min3A_31 = vector.multi_reduction <minimumf>, %select_n3A_29, %reduce_min3A_30 [0] : vector<1000x512xf32> to vector<512xf32>
    %broadcast_in_dim3A_32 = vector.shape_cast %reduce_min3A_31 : vector<512xf32> to vector<1x512xf32>
    %eq3A_33 = vector.broadcast %broadcast_in_dim3A_32 : vector<1x512xf32> to vector<1000x512xf32>
    %eq3A_34 = arith.cmpf oeq, %select_n3A_29, %eq3A_33 : vector<1000x512xf32>
    %swap3A_35 = arith.constant 1 : index
    %swap3A_36 = arith.constant 0 : index
    %swap3A_37 = vector.load %arg2[%swap3A_35, %swap3A_36] : memref<50x512xf32, #tpu.memory_space<vmem>>, vector<1x512xf32>
    %swap3A_38 = vector.shape_cast %swap3A_37 : vector<1x512xf32> to vector<512xf32>
    %swap3A_39 = vector.shape_cast %reduce_max3A_23 : vector<512xf32> to vector<1x512xf32>
    tpu.vector_store %arg2[%swap3A_35, %swap3A_36], %swap3A_39 {strides = array<i32>} : memref<50x512xf32, #tpu.memory_space<vmem>>, vector<1x512xf32>,
    %convert_element_type3A_40 = arith.fptosi %reduce_min3A_31 : vector<512xf32> to vector<512xi32>
    %swap3A_41 = arith.constant 1 : index
    %swap3A_42 = arith.constant 0 : index
    %swap3A_43 = vector.load %arg3[%swap3A_41, %swap3A_42] : memref<50x512xi32, #tpu.memory_space<vmem>>, vector<1x512xi32>
    %swap3A_44 = vector.shape_cast %swap3A_43 : vector<1x512xi32> to vector<512xi32>
    %swap3A_45 = vector.shape_cast %convert_element_type3A_40 : vector<512xi32> to vector<1x512xi32>
    tpu.vector_store %arg3[%swap3A_41, %swap3A_42], %swap3A_45 {strides = array<i32>} : memref<50x512xi32, #tpu.memory_space<vmem>>, vector<1x512xi32>,
    %jit3A_46 = arith.constant 0xFF800000 : f32
    %broadcast_in_dim3A_47 = vector.broadcast %jit3A_46 : f32 to vector<1000x512xf32>
    %select_n3A_48 = arith.select %eq3A_34, %broadcast_in_dim3A_47, %select_n3A_21 : vector<1000x512xi1>, vector<1000x512xf32>
    %reduce_max3A_49 = arith.constant dense<0xFF800000> : vector<512xf32>
    %reduce_max3A_50 = vector.multi_reduction <maximumf>, %select_n3A_48, %reduce_max3A_49 [0] : vector<1000x512xf32> to vector<512xf32>
    %broadcast_in_dim3A_51 = vector.shape_cast %reduce_max3A_50 : vector<512xf32> to vector<1x512xf32>
    %eq3A_52 = vector.broadcast %broadcast_in_dim3A_51 : vector<1x512xf32> to vector<1000x512xf32>
    %eq3A_53 = arith.cmpf oeq, %select_n3A_48, %eq3A_52 : vector<1000x512xf32>
    %jit3A_54 = arith.constant 1.001000e+03 : f32
    %broadcast_in_dim3A_55 = vector.broadcast %jit3A_54 : f32 to vector<1000x512xf32>
    %select_n3A_56 = arith.select %eq3A_53, %convert_element_type3A, %broadcast_in_dim3A_55 : vector<1000x512xi1>, vector<1000x512xf32>
    %reduce_min3A_57 = arith.constant dense<0x7F800000> : vector<512xf32>
    %reduce_min3A_58 = vector.multi_reduction <minimumf>, %select_n3A_56, %reduce_min3A_57 [0] : vector<1000x512xf32> to vector<512xf32>
    %broadcast_in_dim3A_59 = vector.shape_cast %reduce_min3A_58 : vector<512xf32> to vector<1x512xf32>
    %eq3A_60 = vector.broadcast %broadcast_in_dim3A_59 : vector<1x512xf32> to vector<1000x512xf32>
    %eq3A_61 = arith.cmpf oeq, %select_n3A_56, %eq3A_60 : vector<1000x512xf32>
    %swap3A_62 = arith.constant 2 : index
    %swap3A_63 = arith.constant 0 : index
    %swap3A_64 = vector.load %arg2[%swap3A_62, %swap3A_63] : memref<50x512xf32, #tpu.memory_space<vmem>>, vector<1x512xf32>
    %swap3A_65 = vector.shape_cast %swap3A_64 : vector<1x512xf32> to vector<512xf32>
    %swap3A_66 = vector.shape_cast %reduce_max3A_50 : vector<512xf32> to vector<1x512xf32>
    tpu.vector_store %arg2[%swap3A_62, %swap3A_63], %swap3A_66 {strides = array<i32>} : memref<50x512xf32, #tpu.memory_space<vmem>>, vector<1x512xf32>,
    %convert_element_type3A_67 = arith.fptosi %reduce_min3A_58 : vector<512xf32> to vector<512xi32>
    %swap3A_68 = arith.constant 2 : index
    %swap3A_69 = arith.constant 0 : index
    %swap3A_70 = vector.load %arg3[%swap3A_68, %swap3A_69] : memref<50x512xi32, #tpu.memory_space<vmem>>, vector<1x512xi32>
    %swap3A_71 = vector.shape_cast %swap3A_70 : vector<1x512xi32> to vector<512xi32>
    %swap3A_72 = vector.shape_cast %convert_element_type3A_67 : vector<512xi32> to vector<1x512xi32>
    tpu.vector_store %arg3[%swap3A_68, %swap3A_69], %swap3A_72 {strides = array<i32>} : memref<50x512xi32, #tpu.memory_space<vmem>>, vector<1x512xi32>,
    %jit3A_73 = arith.constant 0xFF800000 : f32
    %broadcast_in_dim3A_74 = vector.broadcast %jit3A_73 : f32 to vector<1000x512xf32>
    %select_n3A_75 = arith.select %eq3A_61, %broadcast_in_dim3A_74, %select_n3A_48 : vector<1000x512xi1>, vector<1000x512xf32>
    %reduce_max3A_76 = arith.constant dense<0xFF800000> : vector<512xf32>
    %reduce_max3A_77 = vector.multi_reduction <maximumf>, %select_n3A_75, %reduce_max3A_76 [0] : vector<1000x512xf32> to vector<512xf32>
    %broadcast_in_dim3A_78 = vector.shape_cast %reduce_max3A_77 : vector<512xf32> to vector<1x512xf32>
    %eq3A_79 = vector.broadcast %broadcast_in_dim3A_78 : vector<1x512xf32> to vector<1000x512xf32>
    %eq3A_80 = arith.cmpf oeq, %select_n3A_75, %eq3A_79 : vector<1000x512xf32>
    %jit3A_81 = arith.constant 1.001000e+03 : f32
    %broadcast_in_dim3A_82 = vector.broadcast %jit3A_81 : f32 to vector<1000x512xf32>
    %select_n3A_83 = arith.select %eq3A_80, %convert_element_type3A, %broadcast_in_dim3A_82 : vector<1000x512xi1>, vector<1000x512xf32>
    %reduce_min3A_84 = arith.constant dense<0x7F800000> : vector<512xf32>
    %reduce_min3A_85 = vector.multi_reduction <minimumf>, %select_n3A_83, %reduce_min3A_84 [0] : vector<1000x512xf32> to vector<512xf32>
    %broadcast_in_dim3A_86 = vector.shape_cast %reduce_min3A_85 : vector<512xf32> to vector<1x512xf32>
    %eq3A_87 = vector.broadcast %broadcast_in_dim3A_86 : vector<1x512xf32> to vector<1000x512xf32>
    %eq3A_88 = arith.cmpf oeq, %select_n3A_83, %eq3A_87 : vector<1000x512xf32>
    %swap3A_89 = arith.constant 3 : index
    %swap3A_90 = arith.constant 0 : index
    %swap3A_91 = vector.load %arg2[%swap3A_89, %swap3A_90] : memref<50x512xf32, #tpu.memory_space<vmem>>, vector<1x512xf32>
    %swap3A_92 = vector.shape_cast %swap3A_91 : vector<1x512xf32> to vector<512xf32>
    %swap3A_93 = vector.shape_cast %reduce_max3A_77 : vector<512xf32> to vector<1x512xf32>
    tpu.vector_store %arg2[%swap3A_89, %swap3A_90], %swap3A_93 {strides = array<i32>} : memref<50x512xf32, #tpu.memory_space<vmem>>, vector<1x512xf32>,
    %convert_element_type3A_94 = arith.fptosi %reduce_min3A_85 : vector<512xf32> to vector<512xi32>
    %swap3A_95 = arith.constant 3 : index
    %swap3A_96 = arith.constant 0 : index
    %swap3A_97 = vector.load %arg3[%swap3A_95, %swap3A_96] : memref<50x512xi32, #tpu.memory_space<vmem>>, vector<1x512xi32>
    %swap3A_98 = vector.shape_cast %swap3A_97 : vector<1x512xi32> to vector<512xi32>
    %swap3A_99 = vector.shape_cast %convert_element_type3A_94 : vector<512xi32> to vector<1x512xi32>
    tpu.vector_store %arg3[%swap3A_95, %swap3A_96], %swap3A_99 {strides = array<i32>} : memref<50x512xi32, #tpu.memory_space<vmem>>, vector<1x512xi32>,
    %jit3A_100 = arith.constant 0xFF800000 : f32
    %broadcast_in_dim3A_101 = vector.broadcast %jit3A_100 : f32 to vector<1000x512xf32>
    %select_n3A_102 = arith.select %eq3A_88, %broadcast_in_dim3A_101, %select_n3A_75 : vector<1000x512xi1>, vector<1000x512xf32>
    %reduce_max3A_103 = arith.constant dense<0xFF800000> : vector<512xf32>
    %reduce_max3A_104 = vector.multi_reduction <maximumf>, %select_n3A_102, %reduce_max3A_103 [0] : vector<1000x512xf32> to vector<512xf32>
    %broadcast_in_dim3A_105 = vector.shape_cast %reduce_max3A_104 : vector<512xf32> to vector<1x512xf32>
    %eq3A_106 = vector.broadcast %broadcast_in_dim3A_105 : vector<1x512xf32> to vector<1000x512xf32>
    %eq3A_107 = arith.cmpf oeq, %select_n3A_102, %eq3A_106 : vector<1000x512xf32>
    %jit3A_108 = arith.constant 1.001000e+03 : f32
    %broadcast_in_dim3A_109 = vector.broadcast %jit3A_108 : f32 to vector<1000x512xf32>
    %select_n3A_110 = arith.select %eq3A_107, %convert_element_type3A, %broadcast_in_dim3A_109 : vector<1000x512xi1>, vector<1000x512xf32>
    %reduce_min3A_111 = arith.constant dense<0x7F800000> : vector<512xf32>
    %reduce_min3A_112 = vector.multi_reduction <minimumf>, %select_n3A_110, %reduce_min3A_111 [0] : vector<1000x512xf32> to vector<512xf32>
    %broadcast_in_dim3A_113 = vector.shape_cast %reduce_min3A_112 : vector<512xf32> to vector<1x512xf32>
    %eq3A_114 = vector.broadcast %broadcast_in_dim3A_113 : vector<1x512xf32> to vector<1000x512xf32>
    %eq3A_115 = arith.cmpf oeq, %select_n3A_110, %eq3A_114 : vector<1000x512xf32>
    %swap3A_116 = arith.constant 4 : index
    %swap3A_117 = arith.constant 0 : index
    %swap3A_118 = vector.load %arg2[%swap3A_116, %swap3A_117] : memref<50x512xf32, #tpu.memory_space<vmem>>, vector<1x512xf32>
    %swap3A_119 = vector.shape_cast %swap3A_118 : vector<1x512xf32> to vector<512xf32>
    %swap3A_120 = vector.shape_cast %reduce_max3A_104 : vector<512xf32> to vector<1x512xf32>
    tpu.vector_store %arg2[%swap3A_116, %swap3A_117], %swap3A_120 {strides = array<i32>} : memref<50x512xf32, #tpu.memory_space<vmem>>, vector<1x512xf32>,
    %convert_element_type3A_121 = arith.fptosi %reduce_min3A_112 : vector<512xf32> to vector<512xi32>
    %swap3A_122 = arith.constant 4 : index
    %swap3A_123 = arith.constant 0 : index
    %swap3A_124 = vector.load %arg3[%swap3A_122, %swap3A_123] : memref<50x512xi32, #tpu.memory_space<vmem>>, vector<1x512xi32>
    %swap3A_125 = vector.shape_cast %swap3A_124 : vector<1x512xi32> to vector<512xi32>
    %swap3A_126 = vector.shape_cast %convert_element_type3A_121 : vector<512xi32> to vector<1x512xi32>
    tpu.vector_store %arg3[%swap3A_122, %swap3A_123], %swap3A_126 {strides = array<i32>} : memref<50x512xi32, #tpu.memory_space<vmem>>, vector<1x512xi32>,
    %jit3A_127 = arith.constant 0xFF800000 : f32
    %broadcast_in_dim3A_128 = vector.broadcast %jit3A_127 : f32 to vector<1000x512xf32>
    %select_n3A_129 = arith.select %eq3A_115, %broadcast_in_dim3A_128, %select_n3A_102 : vector<1000x512xi1>, vector<1000x512xf32>
    %reduce_max3A_130 = arith.constant dense<0xFF800000> : vector<512xf32>
    %reduce_max3A_131 = vector.multi_reduction <maximumf>, %select_n3A_129, %reduce_max3A_130 [0] : vector<1000x512xf32> to vector<512xf32>
    %broadcast_in_dim3A_132 = vector.shape_cast %reduce_max3A_131 : vector<512xf32> to vector<1x512xf32>
    %eq3A_133 = vector.broadcast %broadcast_in_dim3A_132 : vector<1x512xf32> to vector<1000x512xf32>
    %eq3A_134 = arith.cmpf oeq, %select_n3A_129, %eq3A_133 : vector<1000x512xf32>
    %jit3A_135 = arith.constant 1.001000e+03 : f32
    %broadcast_in_dim3A_136 = vector.broadcast %jit3A_135 : f32 to vector<1000x512xf32>
    %select_n3A_137 = arith.select %eq3A_134, %convert_element_type3A, %broadcast_in_dim3A_136 : vector<1000x512xi1>, vector<1000x512xf32>
    %reduce_min3A_138 = arith.constant dense<0x7F800000> : vector<512xf32>
    %reduce_min3A_139 = vector.multi_reduction <minimumf>, %select_n3A_137, %reduce_min3A_138 [0] : vector<1000x512xf32> to vector<512xf32>
    %broadcast_in_dim3A_140 = vector.shape_cast %reduce_min3A_139 : vector<512xf32> to vector<1x512xf32>
    %eq3A_141 = vector.broadcast %broadcast_in_dim3A_140 : vector<1x512xf32> to vector<1000x512xf32>
    %eq3A_142 = arith.cmpf oeq, %select_n3A_137, %eq3A_141 : vector<1000x512xf32>
    %swap3A_143 = arith.constant 5 : index
    %swap3A_144 = arith.constant 0 : index
    %swap3A_145 = vector.load %arg2[%swap3A_143, %swap3A_144] : memref<50x512xf32, #tpu.memory_space<vmem>>, vector<1x512xf32>
    %swap3A_146 = vector.shape_cast %swap3A_145 : vector<1x512xf32> to vector<512xf32>
    %swap3A_147 = vector.shape_cast %reduce_max3A_131 : vector<512xf32> to vector<1x512xf32>
    tpu.vector_store %arg2[%swap3A_143, %swap3A_144], %swap3A_147 {strides = array<i32>} : memref<50x512xf32, #tpu.memory_space<vmem>>, vector<1x512xf32>,
    %convert_element_type3A_148 = arith.fptosi %reduce_min3A_139 : vector<512xf32> to vector<512xi32>
    %swap3A_149 = arith.constant 5 : index
    %swap3A_150 = arith.constant 0 : index
    %swap3A_151 = vector.load %arg3[%swap3A_149, %swap3A_150] : memref<50x512xi32, #tpu.memory_space<vmem>>, vector<1x512xi32>
    %swap3A_152 = vector.shape_cast %swap3A_151 : vector<1x512xi32> to vector<512xi32>
    %swap3A_153 = vector.shape_cast %convert_element_type3A_148 : vector<512xi32> to vector<1x512xi32>
    tpu.vector_store %arg3[%swap3A_149, %swap3A_150], %swap3A_153 {strides = array<i32>} : memref<50x512xi32, #tpu.memory_space<vmem>>, vector<1x512xi32>,
    %jit3A_154 = arith.constant 0xFF800000 : f32
    %broadcast_in_dim3A_155 = vector.broadcast %jit3A_154 : f32 to vector<1000x512xf32>
    %select_n3A_156 = arith.select %eq3A_142, %broadcast_in_dim3A_155, %select_n3A_129 : vector<1000x512xi1>, vector<1000x512xf32>
    %reduce_max3A_157 = arith.constant dense<0xFF800000> : vector<512xf32>
    %reduce_max3A_158 = vector.multi_reduction <maximumf>, %select_n3A_156, %reduce_max3A_157 [0] : vector<1000x512xf32> to vector<512xf32>
    %broadcast_in_dim3A_159 = vector.shape_cast %reduce_max3A_158 : vector<512xf32> to vector<1x512xf32>
    %eq3A_160 = vector.broadcast %broadcast_in_dim3A_159 : vector<1x512xf32> to vector<1000x512xf32>
    %eq3A_161 = arith.cmpf oeq, %select_n3A_156, %eq3A_160 : vector<1000x512xf32>
    %jit3A_162 = arith.constant 1.001000e+03 : f32
    %broadcast_in_dim3A_163 = vector.broadcast %jit3A_162 : f32 to vector<1000x512xf32>
    %select_n3A_164 = arith.select %eq3A_161, %convert_element_type3A, %broadcast_in_dim3A_163 : vector<1000x512xi1>, vector<1000x512xf32>
    %reduce_min3A_165 = arith.constant dense<0x7F800000> : vector<512xf32>
    %reduce_min3A_166 = vector.multi_reduction <minimumf>, %select_n3A_164, %reduce_min3A_165 [0] : vector<1000x512xf32> to vector<512xf32>
    %broadcast_in_dim3A_167 = vector.shape_cast %reduce_min3A_166 : vector<512xf32> to vector<1x512xf32>
    %eq3A_168 = vector.broadcast %broadcast_in_dim3A_167 : vector<1x512xf32> to vector<1000x512xf32>
    %eq3A_169 = arith.cmpf oeq, %select_n3A_164, %eq3A_168 : vector<1000x512xf32>
    %swap3A_170 = arith.constant 6 : index
    %swap3A_171 = arith.constant 0 : index
    %swap3A_172 = vector.load %arg2[%swap3A_170, %swap3A_171] : memref<50x512xf32, #tpu.memory_space<vmem>>, vector<1x512xf32>
    %swap3A_173 = vector.shape_cast %swap3A_172 : vector<1x512xf32> to vector<512xf32>
    %swap3A_174 = vector.shape_cast %reduce_max3A_158 : vector<512xf32> to vector<1x512xf32>
    tpu.vector_store %arg2[%swap3A_170, %swap3A_171], %swap3A_174 {strides = array<i32>} : memref<50x512xf32, #tpu.memory_space<vmem>>, vector<1x512xf32>,
    %convert_element_type3A_175 = arith.fptosi %reduce_min3A_166 : vector<512xf32> to vector<512xi32>
    %swap3A_176 = arith.constant 6 : index
    %swap3A_177 = arith.constant 0 : index
    %swap3A_178 = vector.load %arg3[%swap3A_176, %swap3A_177] : memref<50x512xi32, #tpu.memory_space<vmem>>, vector<1x512xi32>
    %swap3A_179 = vector.shape_cast %swap3A_178 : vector<1x512xi32> to vector<512xi32>
    %swap3A_180 = vector.shape_cast %convert_element_type3A_175 : vector<512xi32> to vector<1x512xi32>
    tpu.vector_store %arg3[%swap3A_176, %swap3A_177], %swap3A_180 {strides = array<i32>} : memref<50x512xi32, #tpu.memory_space<vmem>>, vector<1x512xi32>,
    %jit3A_181 = arith.constant 0xFF800000 : f32
    %broadcast_in_dim3A_182 = vector.broadcast %jit3A_181 : f32 to vector<1000x512xf32>
    %select_n3A_183 = arith.select %eq3A_169, %broadcast_in_dim3A_182, %select_n3A_156 : vector<1000x512xi1>, vector<1000x512xf32>
    %reduce_max3A_184 = arith.constant dense<0xFF800000> : vector<512xf32>
    %reduce_max3A_185 = vector.multi_reduction <maximumf>, %select_n3A_183, %reduce_max3A_184 [0] : vector<1000x512xf32> to vector<512xf32>
    %broadcast_in_dim3A_186 = vector.shape_cast %reduce_max3A_185 : vector<512xf32> to vector<1x512xf32>
    %eq3A_187 = vector.broadcast %broadcast_in_dim3A_186 : vector<1x512xf32> to vector<1000x512xf32>
    %eq3A_188 = arith.cmpf oeq, %select_n3A_183, %eq3A_187 : vector<1000x512xf32>
    %jit3A_189 = arith.constant 1.001000e+03 : f32
    %broadcast_in_dim3A_190 = vector.broadcast %jit3A_189 : f32 to vector<1000x512xf32>
    %select_n3A_191 = arith.select %eq3A_188, %convert_element_type3A, %broadcast_in_dim3A_190 : vector<1000x512xi1>, vector<1000x512xf32>
    %reduce_min3A_192 = arith.constant dense<0x7F800000> : vector<512xf32>
    %reduce_min3A_193 = vector.multi_reduction <minimumf>, %select_n3A_191, %reduce_min3A_192 [0] : vector<1000x512xf32> to vector<512xf32>
    %broadcast_in_dim3A_194 = vector.shape_cast %reduce_min3A_193 : vector<512xf32> to vector<1x512xf32>
    %eq3A_195 = vector.broadcast %broadcast_in_dim3A_194 : vector<1x512xf32> to vector<1000x512xf32>
    %eq3A_196 = arith.cmpf oeq, %select_n3A_191, %eq3A_195 : vector<1000x512xf32>
    %swap3A_197 = arith.constant 7 : index
    %swap3A_198 = arith.constant 0 : index
    %swap3A_199 = vector.load %arg2[%swap3A_197, %swap3A_198] : memref<50x512xf32, #tpu.memory_space<vmem>>, vector<1x512xf32>
    %swap3A_200 = vector.shape_cast %swap3A_199 : vector<1x512xf32> to vector<512xf32>
    %swap3A_201 = vector.shape_cast %reduce_max3A_185 : vector<512xf32> to vector<1x512xf32>
    tpu.vector_store %arg2[%swap3A_197, %swap3A_198], %swap3A_201 {strides = array<i32>} : memref<50x512xf32, #tpu.memory_space<vmem>>, vector<1x512xf32>,
    %convert_element_type3A_202 = arith.fptosi %reduce_min3A_193 : vector<512xf32> to vector<512xi32>
    %swap3A_203 = arith.constant 7 : index
    %swap3A_204 = arith.constant 0 : index
    %swap3A_205 = vector.load %arg3[%swap3A_203, %swap3A_204] : memref<50x512xi32, #tpu.memory_space<vmem>>, vector<1x512xi32>
    %swap3A_206 = vector.shape_cast %swap3A_205 : vector<1x512xi32> to vector<512xi32>
    %swap3A_207 = vector.shape_cast %convert_element_type3A_202 : vector<512xi32> to vector<1x512xi32>
    tpu.vector_store %arg3[%swap3A_203, %swap3A_204], %swap3A_207 {strides = array<i32>} : memref<50x512xi32, #tpu.memory_space<vmem>>, vector<1x512xi32>,
    %jit3A_208 = arith.constant 0xFF800000 : f32
    %broadcast_in_dim3A_209 = vector.broadcast %jit3A_208 : f32 to vector<1000x512xf32>
    %select_n3A_210 = arith.select %eq3A_196, %broadcast_in_dim3A_209, %select_n3A_183 : vector<1000x512xi1>, vector<1000x512xf32>
    %reduce_max3A_211 = arith.constant dense<0xFF800000> : vector<512xf32>
    %reduce_max3A_212 = vector.multi_reduction <maximumf>, %select_n3A_210, %reduce_max3A_211 [0] : vector<1000x512xf32> to vector<512xf32>
    %broadcast_in_dim3A_213 = vector.shape_cast %reduce_max3A_212 : vector<512xf32> to vector<1x512xf32>
    %eq3A_214 = vector.broadcast %broadcast_in_dim3A_213 : vector<1x512xf32> to vector<1000x512xf32>
    %eq3A_215 = arith.cmpf oeq, %select_n3A_210, %eq3A_214 : vector<1000x512xf32>
    %jit3A_216 = arith.constant 1.001000e+03 : f32
    %broadcast_in_dim3A_217 = vector.broadcast %jit3A_216 : f32 to vector<1000x512xf32>
    %select_n3A_218 = arith.select %eq3A_215, %convert_element_type3A, %broadcast_in_dim3A_217 : vector<1000x512xi1>, vector<1000x512xf32>
    %reduce_min3A_219 = arith.constant dense<0x7F800000> : vector<512xf32>
    %reduce_min3A_220 = vector.multi_reduction <minimumf>, %select_n3A_218, %reduce_min3A_219 [0] : vector<1000x512xf32> to vector<512xf32>
    %broadcast_in_dim3A_221 = vector.shape_cast %reduce_min3A_220 : vector<512xf32> to vector<1x512xf32>
    %eq3A_222 = vector.broadcast %broadcast_in_dim3A_221 : vector<1x512xf32> to vector<1000x512xf32>
    %eq3A_223 = arith.cmpf oeq, %select_n3A_218, %eq3A_222 : vector<1000x512xf32>
    %swap3A_224 = arith.constant 8 : index
    %swap3A_225 = arith.constant 0 : index
    %swap3A_226 = vector.load %arg2[%swap3A_224, %swap3A_225] : memref<50x512xf32, #tpu.memory_space<vmem>>, vector<1x512xf32>
    %swap3A_227 = vector.shape_cast %swap3A_226 : vector<1x512xf32> to vector<512xf32>
    %swap3A_228 = vector.shape_cast %reduce_max3A_212 : vector<512xf32> to vector<1x512xf32>
    tpu.vector_store %arg2[%swap3A_224, %swap3A_225], %swap3A_228 {strides = array<i32>} : memref<50x512xf32, #tpu.memory_space<vmem>>, vector<1x512xf32>,
    %convert_element_type3A_229 = arith.fptosi %reduce_min3A_220 : vector<512xf32> to vector<512xi32>
    %swap3A_230 = arith.constant 8 : index
    %swap3A_231 = arith.constant 0 : index
    %swap3A_232 = vector.load %arg3[%swap3A_230, %swap3A_231] : memref<50x512xi32, #tpu.memory_space<vmem>>, vector<1x512xi32>
    %swap3A_233 = vector.shape_cast %swap3A_232 : vector<1x512xi32> to vector<512xi32>
    %swap3A_234 = vector.shape_cast %convert_element_type3A_229 : vector<512xi32> to vector<1x512xi32>
    tpu.vector_store %arg3[%swap3A_230, %swap3A_231], %swap3A_234 {strides = array<i32>} : memref<50x512xi32, #tpu.memory_space<vmem>>, vector<1x512xi32>,
    %jit3A_235 = arith.constant 0xFF800000 : f32
    %broadcast_in_dim3A_236 = vector.broadcast %jit3A_235 : f32 to vector<1000x512xf32>
    %select_n3A_237 = arith.select %eq3A_223, %broadcast_in_dim3A_236, %select_n3A_210 : vector<1000x512xi1>, vector<1000x512xf32>
    %reduce_max3A_238 = arith.constant dense<0xFF800000> : vector<512xf32>
    %reduce_max3A_239 = vector.multi_reduction <maximumf>, %select_n3A_237, %reduce_max3A_238 [0] : vector<1000x512xf32> to vector<512xf32>
    %broadcast_in_dim3A_240 = vector.shape_cast %reduce_max3A_239 : vector<512xf32> to vector<1x512xf32>
    %eq3A_241 = vector.broadcast %broadcast_in_dim3A_240 : vector<1x512xf32> to vector<1000x512xf32>
    %eq3A_242 = arith.cmpf oeq, %select_n3A_237, %eq3A_241 : vector<1000x512xf32>
    %jit3A_243 = arith.constant 1.001000e+03 : f32
    %broadcast_in_dim3A_244 = vector.broadcast %jit3A_243 : f32 to vector<1000x512xf32>
    %select_n3A_245 = arith.select %eq3A_242, %convert_element_type3A, %broadcast_in_dim3A_244 : vector<1000x512xi1>, vector<1000x512xf32>
    %reduce_min3A_246 = arith.constant dense<0x7F800000> : vector<512xf32>
    %reduce_min3A_247 = vector.multi_reduction <minimumf>, %select_n3A_245, %reduce_min3A_246 [0] : vector<1000x512xf32> to vector<512xf32>
    %broadcast_in_dim3A_248 = vector.shape_cast %reduce_min3A_247 : vector<512xf32> to vector<1x512xf32>
    %eq3A_249 = vector.broadcast %broadcast_in_dim3A_248 : vector<1x512xf32> to vector<1000x512xf32>
    %eq3A_250 = arith.cmpf oeq, %select_n3A_245, %eq3A_249 : vector<1000x512xf32>
    %swap3A_251 = arith.constant 9 : index
    %swap3A_252 = arith.constant 0 : index
    %swap3A_253 = vector.load %arg2[%swap3A_251, %swap3A_252] : memref<50x512xf32, #tpu.memory_space<vmem>>, vector<1x512xf32>
    %swap3A_254 = vector.shape_cast %swap3A_253 : vector<1x512xf32> to vector<512xf32>
    %swap3A_255 = vector.shape_cast %reduce_max3A_239 : vector<512xf32> to vector<1x512xf32>
    tpu.vector_store %arg2[%swap3A_251, %swap3A_252], %swap3A_255 {strides = array<i32>} : memref<50x512xf32, #tpu.memory_space<vmem>>, vector<1x512xf32>,
    %convert_element_type3A_256 = arith.fptosi %reduce_min3A_247 : vector<512xf32> to vector<512xi32>
    %swap3A_257 = arith.constant 9 : index
    %swap3A_258 = arith.constant 0 : index
    %swap3A_259 = vector.load %arg3[%swap3A_257, %swap3A_258] : memref<50x512xi32, #tpu.memory_space<vmem>>, vector<1x512xi32>
    %swap3A_260 = vector.shape_cast %swap3A_259 : vector<1x512xi32> to vector<512xi32>
    %swap3A_261 = vector.shape_cast %convert_element_type3A_256 : vector<512xi32> to vector<1x512xi32>
    tpu.vector_store %arg3[%swap3A_257, %swap3A_258], %swap3A_261 {strides = array<i32>} : memref<50x512xi32, #tpu.memory_space<vmem>>, vector<1x512xi32>,
    %jit3A_262 = arith.constant 0xFF800000 : f32
    %broadcast_in_dim3A_263 = vector.broadcast %jit3A_262 : f32 to vector<1000x512xf32>
    %select_n3A_264 = arith.select %eq3A_250, %broadcast_in_dim3A_263, %select_n3A_237 : vector<1000x512xi1>, vector<1000x512xf32>
    %reduce_max3A_265 = arith.constant dense<0xFF800000> : vector<512xf32>
    %reduce_max3A_266 = vector.multi_reduction <maximumf>, %select_n3A_264, %reduce_max3A_265 [0] : vector<1000x512xf32> to vector<512xf32>
    %broadcast_in_dim3A_267 = vector.shape_cast %reduce_max3A_266 : vector<512xf32> to vector<1x512xf32>
    %eq3A_268 = vector.broadcast %broadcast_in_dim3A_267 : vector<1x512xf32> to vector<1000x512xf32>
    %eq3A_269 = arith.cmpf oeq, %select_n3A_264, %eq3A_268 : vector<1000x512xf32>
    %jit3A_270 = arith.constant 1.001000e+03 : f32
    %broadcast_in_dim3A_271 = vector.broadcast %jit3A_270 : f32 to vector<1000x512xf32>
    %select_n3A_272 = arith.select %eq3A_269, %convert_element_type3A, %broadcast_in_dim3A_271 : vector<1000x512xi1>, vector<1000x512xf32>
    %reduce_min3A_273 = arith.constant dense<0x7F800000> : vector<512xf32>
    %reduce_min3A_274 = vector.multi_reduction <minimumf>, %select_n3A_272, %reduce_min3A_273 [0] : vector<1000x512xf32> to vector<512xf32>
    %broadcast_in_dim3A_275 = vector.shape_cast %reduce_min3A_274 : vector<512xf32> to vector<1x512xf32>
    %eq3A_276 = vector.broadcast %broadcast_in_dim3A_275 : vector<1x512xf32> to vector<1000x512xf32>
    %eq3A_277 = arith.cmpf oeq, %select_n3A_272, %eq3A_276 : vector<1000x512xf32>
    %swap3A_278 = arith.constant 10 : index
    %swap3A_279 = arith.constant 0 : index
    %swap3A_280 = vector.load %arg2[%swap3A_278, %swap3A_279] : memref<50x512xf32, #tpu.memory_space<vmem>>, vector<1x512xf32>
    %swap3A_281 = vector.shape_cast %swap3A_280 : vector<1x512xf32> to vector<512xf32>
    %swap3A_282 = vector.shape_cast %reduce_max3A_266 : vector<512xf32> to vector<1x512xf32>
    tpu.vector_store %arg2[%swap3A_278, %swap3A_279], %swap3A_282 {strides = array<i32>} : memref<50x512xf32, #tpu.memory_space<vmem>>, vector<1x512xf32>,
    %convert_element_type3A_283 = arith.fptosi %reduce_min3A_274 : vector<512xf32> to vector<512xi32>
    %swap3A_284 = arith.constant 10 : index
    %swap3A_285 = arith.constant 0 : index
    %swap3A_286 = vector.load %arg3[%swap3A_284, %swap3A_285] : memref<50x512xi32, #tpu.memory_space<vmem>>, vector<1x512xi32>
    %swap3A_287 = vector.shape_cast %swap3A_286 : vector<1x512xi32> to vector<512xi32>
    %swap3A_288 = vector.shape_cast %convert_element_type3A_283 : vector<512xi32> to vector<1x512xi32>
    tpu.vector_store %arg3[%swap3A_284, %swap3A_285], %swap3A_288 {strides = array<i32>} : memref<50x512xi32, #tpu.memory_space<vmem>>, vector<1x512xi32>,
    %jit3A_289 = arith.constant 0xFF800000 : f32
    %broadcast_in_dim3A_290 = vector.broadcast %jit3A_289 : f32 to vector<1000x512xf32>
    %select_n3A_291 = arith.select %eq3A_277, %broadcast_in_dim3A_290, %select_n3A_264 : vector<1000x512xi1>, vector<1000x512xf32>
    %reduce_max3A_292 = arith.constant dense<0xFF800000> : vector<512xf32>
    %reduce_max3A_293 = vector.multi_reduction <maximumf>, %select_n3A_291, %reduce_max3A_292 [0] : vector<1000x512xf32> to vector<512xf32>
    %broadcast_in_dim3A_294 = vector.shape_cast %reduce_max3A_293 : vector<512xf32> to vector<1x512xf32>
    %eq3A_295 = vector.broadcast %broadcast_in_dim3A_294 : vector<1x512xf32> to vector<1000x512xf32>
    %eq3A_296 = arith.cmpf oeq, %select_n3A_291, %eq3A_295 : vector<1000x512xf32>
    %jit3A_297 = arith.constant 1.001000e+03 : f32
    %broadcast_in_dim3A_298 = vector.broadcast %jit3A_297 : f32 to vector<1000x512xf32>
    %select_n3A_299 = arith.select %eq3A_296, %convert_element_type3A, %broadcast_in_dim3A_298 : vector<1000x512xi1>, vector<1000x512xf32>
    %reduce_min3A_300 = arith.constant dense<0x7F800000> : vector<512xf32>
    %reduce_min3A_301 = vector.multi_reduction <minimumf>, %select_n3A_299, %reduce_min3A_300 [0] : vector<1000x512xf32> to vector<512xf32>
    %broadcast_in_dim3A_302 = vector.shape_cast %reduce_min3A_301 : vector<512xf32> to vector<1x512xf32>
    %eq3A_303 = vector.broadcast %broadcast_in_dim3A_302 : vector<1x512xf32> to vector<1000x512xf32>
    %eq3A_304 = arith.cmpf oeq, %select_n3A_299, %eq3A_303 : vector<1000x512xf32>
    %swap3A_305 = arith.constant 11 : index
    %swap3A_306 = arith.constant 0 : index
    %swap3A_307 = vector.load %arg2[%swap3A_305, %swap3A_306] : memref<50x512xf32, #tpu.memory_space<vmem>>, vector<1x512xf32>
    %swap3A_308 = vector.shape_cast %swap3A_307 : vector<1x512xf32> to vector<512xf32>
    %swap3A_309 = vector.shape_cast %reduce_max3A_293 : vector<512xf32> to vector<1x512xf32>
    tpu.vector_store %arg2[%swap3A_305, %swap3A_306], %swap3A_309 {strides = array<i32>} : memref<50x512xf32, #tpu.memory_space<vmem>>, vector<1x512xf32>,
    %convert_element_type3A_310 = arith.fptosi %reduce_min3A_301 : vector<512xf32> to vector<512xi32>
    %swap3A_311 = arith.constant 11 : index
    %swap3A_312 = arith.constant 0 : index
    %swap3A_313 = vector.load %arg3[%swap3A_311, %swap3A_312] : memref<50x512xi32, #tpu.memory_space<vmem>>, vector<1x512xi32>
    %swap3A_314 = vector.shape_cast %swap3A_313 : vector<1x512xi32> to vector<512xi32>
    %swap3A_315 = vector.shape_cast %convert_element_type3A_310 : vector<512xi32> to vector<1x512xi32>
    tpu.vector_store %arg3[%swap3A_311, %swap3A_312], %swap3A_315 {strides = array<i32>} : memref<50x512xi32, #tpu.memory_space<vmem>>, vector<1x512xi32>,
    %jit3A_316 = arith.constant 0xFF800000 : f32
    %broadcast_in_dim3A_317 = vector.broadcast %jit3A_316 : f32 to vector<1000x512xf32>
    %select_n3A_318 = arith.select %eq3A_304, %broadcast_in_dim3A_317, %select_n3A_291 : vector<1000x512xi1>, vector<1000x512xf32>
    %reduce_max3A_319 = arith.constant dense<0xFF800000> : vector<512xf32>
    %reduce_max3A_320 = vector.multi_reduction <maximumf>, %select_n3A_318, %reduce_max3A_319 [0] : vector<1000x512xf32> to vector<512xf32>
    %broadcast_in_dim3A_321 = vector.shape_cast %reduce_max3A_320 : vector<512xf32> to vector<1x512xf32>
    %eq3A_322 = vector.broadcast %broadcast_in_dim3A_321 : vector<1x512xf32> to vector<1000x512xf32>
    %eq3A_323 = arith.cmpf oeq, %select_n3A_318, %eq3A_322 : vector<1000x512xf32>
    %jit3A_324 = arith.constant 1.001000e+03 : f32
    %broadcast_in_dim3A_325 = vector.broadcast %jit3A_324 : f32 to vector<1000x512xf32>
    %select_n3A_326 = arith.select %eq3A_323, %convert_element_type3A, %broadcast_in_dim3A_325 : vector<1000x512xi1>, vector<1000x512xf32>
    %reduce_min3A_327 = arith.constant dense<0x7F800000> : vector<512xf32>
    %reduce_min3A_328 = vector.multi_reduction <minimumf>, %select_n3A_326, %reduce_min3A_327 [0] : vector<1000x512xf32> to vector<512xf32>
    %broadcast_in_dim3A_329 = vector.shape_cast %reduce_min3A_328 : vector<512xf32> to vector<1x512xf32>
    %eq3A_330 = vector.broadcast %broadcast_in_dim3A_329 : vector<1x512xf32> to vector<1000x512xf32>
    %eq3A_331 = arith.cmpf oeq, %select_n3A_326, %eq3A_330 : vector<1000x512xf32>
    %swap3A_332 = arith.constant 12 : index
    %swap3A_333 = arith.constant 0 : index
    %swap3A_334 = vector.load %arg2[%swap3A_332, %swap3A_333] : memref<50x512xf32, #tpu.memory_space<vmem>>, vector<1x512xf32>
    %swap3A_335 = vector.shape_cast %swap3A_334 : vector<1x512xf32> to vector<512xf32>
    %swap3A_336 = vector.shape_cast %reduce_max3A_320 : vector<512xf32> to vector<1x512xf32>
    tpu.vector_store %arg2[%swap3A_332, %swap3A_333], %swap3A_336 {strides = array<i32>} : memref<50x512xf32, #tpu.memory_space<vmem>>, vector<1x512xf32>,
    %convert_element_type3A_337 = arith.fptosi %reduce_min3A_328 : vector<512xf32> to vector<512xi32>
    %swap3A_338 = arith.constant 12 : index
    %swap3A_339 = arith.constant 0 : index
    %swap3A_340 = vector.load %arg3[%swap3A_338, %swap3A_339] : memref<50x512xi32, #tpu.memory_space<vmem>>, vector<1x512xi32>
    %swap3A_341 = vector.shape_cast %swap3A_340 : vector<1x512xi32> to vector<512xi32>
    %swap3A_342 = vector.shape_cast %convert_element_type3A_337 : vector<512xi32> to vector<1x512xi32>
    tpu.vector_store %arg3[%swap3A_338, %swap3A_339], %swap3A_342 {strides = array<i32>} : memref<50x512xi32, #tpu.memory_space<vmem>>, vector<1x512xi32>,
    %jit3A_343 = arith.constant 0xFF800000 : f32
    %broadcast_in_dim3A_344 = vector.broadcast %jit3A_343 : f32 to vector<1000x512xf32>
    %select_n3A_345 = arith.select %eq3A_331, %broadcast_in_dim3A_344, %select_n3A_318 : vector<1000x512xi1>, vector<1000x512xf32>
    %reduce_max3A_346 = arith.constant dense<0xFF800000> : vector<512xf32>
    %reduce_max3A_347 = vector.multi_reduction <maximumf>, %select_n3A_345, %reduce_max3A_346 [0] : vector<1000x512xf32> to vector<512xf32>
    %broadcast_in_dim3A_348 = vector.shape_cast %reduce_max3A_347 : vector<512xf32> to vector<1x512xf32>
    %eq3A_349 = vector.broadcast %broadcast_in_dim3A_348 : vector<1x512xf32> to vector<1000x512xf32>
    %eq3A_350 = arith.cmpf oeq, %select_n3A_345, %eq3A_349 : vector<1000x512xf32>
    %jit3A_351 = arith.constant 1.001000e+03 : f32
    %broadcast_in_dim3A_352 = vector.broadcast %jit3A_351 : f32 to vector<1000x512xf32>
    %select_n3A_353 = arith.select %eq3A_350, %convert_element_type3A, %broadcast_in_dim3A_352 : vector<1000x512xi1>, vector<1000x512xf32>
    %reduce_min3A_354 = arith.constant dense<0x7F800000> : vector<512xf32>
    %reduce_min3A_355 = vector.multi_reduction <minimumf>, %select_n3A_353, %reduce_min3A_354 [0] : vector<1000x512xf32> to vector<512xf32>
    %broadcast_in_dim3A_356 = vector.shape_cast %reduce_min3A_355 : vector<512xf32> to vector<1x512xf32>
    %eq3A_357 = vector.broadcast %broadcast_in_dim3A_356 : vector<1x512xf32> to vector<1000x512xf32>
    %eq3A_358 = arith.cmpf oeq, %select_n3A_353, %eq3A_357 : vector<1000x512xf32>
    %swap3A_359 = arith.constant 13 : index
    %swap3A_360 = arith.constant 0 : index
    %swap3A_361 = vector.load %arg2[%swap3A_359, %swap3A_360] : memref<50x512xf32, #tpu.memory_space<vmem>>, vector<1x512xf32>
    %swap3A_362 = vector.shape_cast %swap3A_361 : vector<1x512xf32> to vector<512xf32>
    %swap3A_363 = vector.shape_cast %reduce_max3A_347 : vector<512xf32> to vector<1x512xf32>
    tpu.vector_store %arg2[%swap3A_359, %swap3A_360], %swap3A_363 {strides = array<i32>} : memref<50x512xf32, #tpu.memory_space<vmem>>, vector<1x512xf32>,
    %convert_element_type3A_364 = arith.fptosi %reduce_min3A_355 : vector<512xf32> to vector<512xi32>
    %swap3A_365 = arith.constant 13 : index
    %swap3A_366 = arith.constant 0 : index
    %swap3A_367 = vector.load %arg3[%swap3A_365, %swap3A_366] : memref<50x512xi32, #tpu.memory_space<vmem>>, vector<1x512xi32>
    %swap3A_368 = vector.shape_cast %swap3A_367 : vector<1x512xi32> to vector<512xi32>
    %swap3A_369 = vector.shape_cast %convert_element_type3A_364 : vector<512xi32> to vector<1x512xi32>
    tpu.vector_store %arg3[%swap3A_365, %swap3A_366], %swap3A_369 {strides = array<i32>} : memref<50x512xi32, #tpu.memory_space<vmem>>, vector<1x512xi32>,
    %jit3A_370 = arith.constant 0xFF800000 : f32
    %broadcast_in_dim3A_371 = vector.broadcast %jit3A_370 : f32 to vector<1000x512xf32>
    %select_n3A_372 = arith.select %eq3A_358, %broadcast_in_dim3A_371, %select_n3A_345 : vector<1000x512xi1>, vector<1000x512xf32>
    %reduce_max3A_373 = arith.constant dense<0xFF800000> : vector<512xf32>
    %reduce_max3A_374 = vector.multi_reduction <maximumf>, %select_n3A_372, %reduce_max3A_373 [0] : vector<1000x512xf32> to vector<512xf32>
    %broadcast_in_dim3A_375 = vector.shape_cast %reduce_max3A_374 : vector<512xf32> to vector<1x512xf32>
    %eq3A_376 = vector.broadcast %broadcast_in_dim3A_375 : vector<1x512xf32> to vector<1000x512xf32>
    %eq3A_377 = arith.cmpf oeq, %select_n3A_372, %eq3A_376 : vector<1000x512xf32>
    %jit3A_378 = arith.constant 1.001000e+03 : f32
    %broadcast_in_dim3A_379 = vector.broadcast %jit3A_378 : f32 to vector<1000x512xf32>
    %select_n3A_380 = arith.select %eq3A_377, %convert_element_type3A, %broadcast_in_dim3A_379 : vector<1000x512xi1>, vector<1000x512xf32>
    %reduce_min3A_381 = arith.constant dense<0x7F800000> : vector<512xf32>
    %reduce_min3A_382 = vector.multi_reduction <minimumf>, %select_n3A_380, %reduce_min3A_381 [0] : vector<1000x512xf32> to vector<512xf32>
    %broadcast_in_dim3A_383 = vector.shape_cast %reduce_min3A_382 : vector<512xf32> to vector<1x512xf32>
    %eq3A_384 = vector.broadcast %broadcast_in_dim3A_383 : vector<1x512xf32> to vector<1000x512xf32>
    %eq3A_385 = arith.cmpf oeq, %select_n3A_380, %eq3A_384 : vector<1000x512xf32>
    %swap3A_386 = arith.constant 14 : index
    %swap3A_387 = arith.constant 0 : index
    %swap3A_388 = vector.load %arg2[%swap3A_386, %swap3A_387] : memref<50x512xf32, #tpu.memory_space<vmem>>, vector<1x512xf32>
    %swap3A_389 = vector.shape_cast %swap3A_388 : vector<1x512xf32> to vector<512xf32>
    %swap3A_390 = vector.shape_cast %reduce_max3A_374 : vector<512xf32> to vector<1x512xf32>
    tpu.vector_store %arg2[%swap3A_386, %swap3A_387], %swap3A_390 {strides = array<i32>} : memref<50x512xf32, #tpu.memory_space<vmem>>, vector<1x512xf32>,
    %convert_element_type3A_391 = arith.fptosi %reduce_min3A_382 : vector<512xf32> to vector<512xi32>
    %swap3A_392 = arith.constant 14 : index
    %swap3A_393 = arith.constant 0 : index
    %swap3A_394 = vector.load %arg3[%swap3A_392, %swap3A_393] : memref<50x512xi32, #tpu.memory_space<vmem>>, vector<1x512xi32>
    %swap3A_395 = vector.shape_cast %swap3A_394 : vector<1x512xi32> to vector<512xi32>
    %swap3A_396 = vector.shape_cast %convert_element_type3A_391 : vector<512xi32> to vector<1x512xi32>
    tpu.vector_store %arg3[%swap3A_392, %swap3A_393], %swap3A_396 {strides = array<i32>} : memref<50x512xi32, #tpu.memory_space<vmem>>, vector<1x512xi32>,
    %jit3A_397 = arith.constant 0xFF800000 : f32
    %broadcast_in_dim3A_398 = vector.broadcast %jit3A_397 : f32 to vector<1000x512xf32>
    %select_n3A_399 = arith.select %eq3A_385, %broadcast_in_dim3A_398, %select_n3A_372 : vector<1000x512xi1>, vector<1000x512xf32>
    %reduce_max3A_400 = arith.constant dense<0xFF800000> : vector<512xf32>
    %reduce_max3A_401 = vector.multi_reduction <maximumf>, %select_n3A_399, %reduce_max3A_400 [0] : vector<1000x512xf32> to vector<512xf32>
    %broadcast_in_dim3A_402 = vector.shape_cast %reduce_max3A_401 : vector<512xf32> to vector<1x512xf32>
    %eq3A_403 = vector.broadcast %broadcast_in_dim3A_402 : vector<1x512xf32> to vector<1000x512xf32>
    %eq3A_404 = arith.cmpf oeq, %select_n3A_399, %eq3A_403 : vector<1000x512xf32>
    %jit3A_405 = arith.constant 1.001000e+03 : f32
    %broadcast_in_dim3A_406 = vector.broadcast %jit3A_405 : f32 to vector<1000x512xf32>
    %select_n3A_407 = arith.select %eq3A_404, %convert_element_type3A, %broadcast_in_dim3A_406 : vector<1000x512xi1>, vector<1000x512xf32>
    %reduce_min3A_408 = arith.constant dense<0x7F800000> : vector<512xf32>
    %reduce_min3A_409 = vector.multi_reduction <minimumf>, %select_n3A_407, %reduce_min3A_408 [0] : vector<1000x512xf32> to vector<512xf32>
    %broadcast_in_dim3A_410 = vector.shape_cast %reduce_min3A_409 : vector<512xf32> to vector<1x512xf32>
    %eq3A_411 = vector.broadcast %broadcast_in_dim3A_410 : vector<1x512xf32> to vector<1000x512xf32>
    %eq3A_412 = arith.cmpf oeq, %select_n3A_407, %eq3A_411 : vector<1000x512xf32>
    %swap3A_413 = arith.constant 15 : index
    %swap3A_414 = arith.constant 0 : index
    %swap3A_415 = vector.load %arg2[%swap3A_413, %swap3A_414] : memref<50x512xf32, #tpu.memory_space<vmem>>, vector<1x512xf32>
    %swap3A_416 = vector.shape_cast %swap3A_415 : vector<1x512xf32> to vector<512xf32>
    %swap3A_417 = vector.shape_cast %reduce_max3A_401 : vector<512xf32> to vector<1x512xf32>
    tpu.vector_store %arg2[%swap3A_413, %swap3A_414], %swap3A_417 {strides = array<i32>} : memref<50x512xf32, #tpu.memory_space<vmem>>, vector<1x512xf32>,
    %convert_element_type3A_418 = arith.fptosi %reduce_min3A_409 : vector<512xf32> to vector<512xi32>
    %swap3A_419 = arith.constant 15 : index
    %swap3A_420 = arith.constant 0 : index
    %swap3A_421 = vector.load %arg3[%swap3A_419, %swap3A_420] : memref<50x512xi32, #tpu.memory_space<vmem>>, vector<1x512xi32>
    %swap3A_422 = vector.shape_cast %swap3A_421 : vector<1x512xi32> to vector<512xi32>
    %swap3A_423 = vector.shape_cast %convert_element_type3A_418 : vector<512xi32> to vector<1x512xi32>
    tpu.vector_store %arg3[%swap3A_419, %swap3A_420], %swap3A_423 {strides = array<i32>} : memref<50x512xi32, #tpu.memory_space<vmem>>, vector<1x512xi32>,
    %jit3A_424 = arith.constant 0xFF800000 : f32
    %broadcast_in_dim3A_425 = vector.broadcast %jit3A_424 : f32 to vector<1000x512xf32>
    %select_n3A_426 = arith.select %eq3A_412, %broadcast_in_dim3A_425, %select_n3A_399 : vector<1000x512xi1>, vector<1000x512xf32>
    %reduce_max3A_427 = arith.constant dense<0xFF800000> : vector<512xf32>
    %reduce_max3A_428 = vector.multi_reduction <maximumf>, %select_n3A_426, %reduce_max3A_427 [0] : vector<1000x512xf32> to vector<512xf32>
    %broadcast_in_dim3A_429 = vector.shape_cast %reduce_max3A_428 : vector<512xf32> to vector<1x512xf32>
    %eq3A_430 = vector.broadcast %broadcast_in_dim3A_429 : vector<1x512xf32> to vector<1000x512xf32>
    %eq3A_431 = arith.cmpf oeq, %select_n3A_426, %eq3A_430 : vector<1000x512xf32>
    %jit3A_432 = arith.constant 1.001000e+03 : f32
    %broadcast_in_dim3A_433 = vector.broadcast %jit3A_432 : f32 to vector<1000x512xf32>
    %select_n3A_434 = arith.select %eq3A_431, %convert_element_type3A, %broadcast_in_dim3A_433 : vector<1000x512xi1>, vector<1000x512xf32>
    %reduce_min3A_435 = arith.constant dense<0x7F800000> : vector<512xf32>
    %reduce_min3A_436 = vector.multi_reduction <minimumf>, %select_n3A_434, %reduce_min3A_435 [0] : vector<1000x512xf32> to vector<512xf32>
    %broadcast_in_dim3A_437 = vector.shape_cast %reduce_min3A_436 : vector<512xf32> to vector<1x512xf32>
    %eq3A_438 = vector.broadcast %broadcast_in_dim3A_437 : vector<1x512xf32> to vector<1000x512xf32>
    %eq3A_439 = arith.cmpf oeq, %select_n3A_434, %eq3A_438 : vector<1000x512xf32>
    %swap3A_440 = arith.constant 16 : index
    %swap3A_441 = arith.constant 0 : index
    %swap3A_442 = vector.load %arg2[%swap3A_440, %swap3A_441] : memref<50x512xf32, #tpu.memory_space<vmem>>, vector<1x512xf32>
    %swap3A_443 = vector.shape_cast %swap3A_442 : vector<1x512xf32> to vector<512xf32>
    %swap3A_444 = vector.shape_cast %reduce_max3A_428 : vector<512xf32> to vector<1x512xf32>
    tpu.vector_store %arg2[%swap3A_440, %swap3A_441], %swap3A_444 {strides = array<i32>} : memref<50x512xf32, #tpu.memory_space<vmem>>, vector<1x512xf32>,
    %convert_element_type3A_445 = arith.fptosi %reduce_min3A_436 : vector<512xf32> to vector<512xi32>
    %swap3A_446 = arith.constant 16 : index
    %swap3A_447 = arith.constant 0 : index
    %swap3A_448 = vector.load %arg3[%swap3A_446, %swap3A_447] : memref<50x512xi32, #tpu.memory_space<vmem>>, vector<1x512xi32>
    %swap3A_449 = vector.shape_cast %swap3A_448 : vector<1x512xi32> to vector<512xi32>
    %swap3A_450 = vector.shape_cast %convert_element_type3A_445 : vector<512xi32> to vector<1x512xi32>
    tpu.vector_store %arg3[%swap3A_446, %swap3A_447], %swap3A_450 {strides = array<i32>} : memref<50x512xi32, #tpu.memory_space<vmem>>, vector<1x512xi32>,
    %jit3A_451 = arith.constant 0xFF800000 : f32
    %broadcast_in_dim3A_452 = vector.broadcast %jit3A_451 : f32 to vector<1000x512xf32>
    %select_n3A_453 = arith.select %eq3A_439, %broadcast_in_dim3A_452, %select_n3A_426 : vector<1000x512xi1>, vector<1000x512xf32>
    %reduce_max3A_454 = arith.constant dense<0xFF800000> : vector<512xf32>
    %reduce_max3A_455 = vector.multi_reduction <maximumf>, %select_n3A_453, %reduce_max3A_454 [0] : vector<1000x512xf32> to vector<512xf32>
    %broadcast_in_dim3A_456 = vector.shape_cast %reduce_max3A_455 : vector<512xf32> to vector<1x512xf32>
    %eq3A_457 = vector.broadcast %broadcast_in_dim3A_456 : vector<1x512xf32> to vector<1000x512xf32>
    %eq3A_458 = arith.cmpf oeq, %select_n3A_453, %eq3A_457 : vector<1000x512xf32>
    %jit3A_459 = arith.constant 1.001000e+03 : f32
    %broadcast_in_dim3A_460 = vector.broadcast %jit3A_459 : f32 to vector<1000x512xf32>
    %select_n3A_461 = arith.select %eq3A_458, %convert_element_type3A, %broadcast_in_dim3A_460 : vector<1000x512xi1>, vector<1000x512xf32>
    %reduce_min3A_462 = arith.constant dense<0x7F800000> : vector<512xf32>
    %reduce_min3A_463 = vector.multi_reduction <minimumf>, %select_n3A_461, %reduce_min3A_462 [0] : vector<1000x512xf32> to vector<512xf32>
    %broadcast_in_dim3A_464 = vector.shape_cast %reduce_min3A_463 : vector<512xf32> to vector<1x512xf32>
    %eq3A_465 = vector.broadcast %broadcast_in_dim3A_464 : vector<1x512xf32> to vector<1000x512xf32>
    %eq3A_466 = arith.cmpf oeq, %select_n3A_461, %eq3A_465 : vector<1000x512xf32>
    %swap3A_467 = arith.constant 17 : index
    %swap3A_468 = arith.constant 0 : index
    %swap3A_469 = vector.load %arg2[%swap3A_467, %swap3A_468] : memref<50x512xf32, #tpu.memory_space<vmem>>, vector<1x512xf32>
    %swap3A_470 = vector.shape_cast %swap3A_469 : vector<1x512xf32> to vector<512xf32>
    %swap3A_471 = vector.shape_cast %reduce_max3A_455 : vector<512xf32> to vector<1x512xf32>
    tpu.vector_store %arg2[%swap3A_467, %swap3A_468], %swap3A_471 {strides = array<i32>} : memref<50x512xf32, #tpu.memory_space<vmem>>, vector<1x512xf32>,
    %convert_element_type3A_472 = arith.fptosi %reduce_min3A_463 : vector<512xf32> to vector<512xi32>
    %swap3A_473 = arith.constant 17 : index
    %swap3A_474 = arith.constant 0 : index
    %swap3A_475 = vector.load %arg3[%swap3A_473, %swap3A_474] : memref<50x512xi32, #tpu.memory_space<vmem>>, vector<1x512xi32>
    %swap3A_476 = vector.shape_cast %swap3A_475 : vector<1x512xi32> to vector<512xi32>
    %swap3A_477 = vector.shape_cast %convert_element_type3A_472 : vector<512xi32> to vector<1x512xi32>
    tpu.vector_store %arg3[%swap3A_473, %swap3A_474], %swap3A_477 {strides = array<i32>} : memref<50x512xi32, #tpu.memory_space<vmem>>, vector<1x512xi32>,
    %jit3A_478 = arith.constant 0xFF800000 : f32
    %broadcast_in_dim3A_479 = vector.broadcast %jit3A_478 : f32 to vector<1000x512xf32>
    %select_n3A_480 = arith.select %eq3A_466, %broadcast_in_dim3A_479, %select_n3A_453 : vector<1000x512xi1>, vector<1000x512xf32>
    %reduce_max3A_481 = arith.constant dense<0xFF800000> : vector<512xf32>
    %reduce_max3A_482 = vector.multi_reduction <maximumf>, %select_n3A_480, %reduce_max3A_481 [0] : vector<1000x512xf32> to vector<512xf32>
    %broadcast_in_dim3A_483 = vector.shape_cast %reduce_max3A_482 : vector<512xf32> to vector<1x512xf32>
    %eq3A_484 = vector.broadcast %broadcast_in_dim3A_483 : vector<1x512xf32> to vector<1000x512xf32>
    %eq3A_485 = arith.cmpf oeq, %select_n3A_480, %eq3A_484 : vector<1000x512xf32>
    %jit3A_486 = arith.constant 1.001000e+03 : f32
    %broadcast_in_dim3A_487 = vector.broadcast %jit3A_486 : f32 to vector<1000x512xf32>
    %select_n3A_488 = arith.select %eq3A_485, %convert_element_type3A, %broadcast_in_dim3A_487 : vector<1000x512xi1>, vector<1000x512xf32>
    %reduce_min3A_489 = arith.constant dense<0x7F800000> : vector<512xf32>
    %reduce_min3A_490 = vector.multi_reduction <minimumf>, %select_n3A_488, %reduce_min3A_489 [0] : vector<1000x512xf32> to vector<512xf32>
    %broadcast_in_dim3A_491 = vector.shape_cast %reduce_min3A_490 : vector<512xf32> to vector<1x512xf32>
    %eq3A_492 = vector.broadcast %broadcast_in_dim3A_491 : vector<1x512xf32> to vector<1000x512xf32>
    %eq3A_493 = arith.cmpf oeq, %select_n3A_488, %eq3A_492 : vector<1000x512xf32>
    %swap3A_494 = arith.constant 18 : index
    %swap3A_495 = arith.constant 0 : index
    %swap3A_496 = vector.load %arg2[%swap3A_494, %swap3A_495] : memref<50x512xf32, #tpu.memory_space<vmem>>, vector<1x512xf32>
    %swap3A_497 = vector.shape_cast %swap3A_496 : vector<1x512xf32> to vector<512xf32>
    %swap3A_498 = vector.shape_cast %reduce_max3A_482 : vector<512xf32> to vector<1x512xf32>
    tpu.vector_store %arg2[%swap3A_494, %swap3A_495], %swap3A_498 {strides = array<i32>} : memref<50x512xf32, #tpu.memory_space<vmem>>, vector<1x512xf32>,
    %convert_element_type3A_499 = arith.fptosi %reduce_min3A_490 : vector<512xf32> to vector<512xi32>
    %swap3A_500 = arith.constant 18 : index
    %swap3A_501 = arith.constant 0 : index
    %swap3A_502 = vector.load %arg3[%swap3A_500, %swap3A_501] : memref<50x512xi32, #tpu.memory_space<vmem>>, vector<1x512xi32>
    %swap3A_503 = vector.shape_cast %swap3A_502 : vector<1x512xi32> to vector<512xi32>
    %swap3A_504 = vector.shape_cast %convert_element_type3A_499 : vector<512xi32> to vector<1x512xi32>
    tpu.vector_store %arg3[%swap3A_500, %swap3A_501], %swap3A_504 {strides = array<i32>} : memref<50x512xi32, #tpu.memory_space<vmem>>, vector<1x512xi32>,
    %jit3A_505 = arith.constant 0xFF800000 : f32
    %broadcast_in_dim3A_506 = vector.broadcast %jit3A_505 : f32 to vector<1000x512xf32>
    %select_n3A_507 = arith.select %eq3A_493, %broadcast_in_dim3A_506, %select_n3A_480 : vector<1000x512xi1>, vector<1000x512xf32>
    %reduce_max3A_508 = arith.constant dense<0xFF800000> : vector<512xf32>
    %reduce_max3A_509 = vector.multi_reduction <maximumf>, %select_n3A_507, %reduce_max3A_508 [0] : vector<1000x512xf32> to vector<512xf32>
    %broadcast_in_dim3A_510 = vector.shape_cast %reduce_max3A_509 : vector<512xf32> to vector<1x512xf32>
    %eq3A_511 = vector.broadcast %broadcast_in_dim3A_510 : vector<1x512xf32> to vector<1000x512xf32>
    %eq3A_512 = arith.cmpf oeq, %select_n3A_507, %eq3A_511 : vector<1000x512xf32>
    %jit3A_513 = arith.constant 1.001000e+03 : f32
    %broadcast_in_dim3A_514 = vector.broadcast %jit3A_513 : f32 to vector<1000x512xf32>
    %select_n3A_515 = arith.select %eq3A_512, %convert_element_type3A, %broadcast_in_dim3A_514 : vector<1000x512xi1>, vector<1000x512xf32>
    %reduce_min3A_516 = arith.constant dense<0x7F800000> : vector<512xf32>
    %reduce_min3A_517 = vector.multi_reduction <minimumf>, %select_n3A_515, %reduce_min3A_516 [0] : vector<1000x512xf32> to vector<512xf32>
    %broadcast_in_dim3A_518 = vector.shape_cast %reduce_min3A_517 : vector<512xf32> to vector<1x512xf32>
    %eq3A_519 = vector.broadcast %broadcast_in_dim3A_518 : vector<1x512xf32> to vector<1000x512xf32>
    %eq3A_520 = arith.cmpf oeq, %select_n3A_515, %eq3A_519 : vector<1000x512xf32>
    %swap3A_521 = arith.constant 19 : index
    %swap3A_522 = arith.constant 0 : index
    %swap3A_523 = vector.load %arg2[%swap3A_521, %swap3A_522] : memref<50x512xf32, #tpu.memory_space<vmem>>, vector<1x512xf32>
    %swap3A_524 = vector.shape_cast %swap3A_523 : vector<1x512xf32> to vector<512xf32>
    %swap3A_525 = vector.shape_cast %reduce_max3A_509 : vector<512xf32> to vector<1x512xf32>
    tpu.vector_store %arg2[%swap3A_521, %swap3A_522], %swap3A_525 {strides = array<i32>} : memref<50x512xf32, #tpu.memory_space<vmem>>, vector<1x512xf32>,
    %convert_element_type3A_526 = arith.fptosi %reduce_min3A_517 : vector<512xf32> to vector<512xi32>
    %swap3A_527 = arith.constant 19 : index
    %swap3A_528 = arith.constant 0 : index
    %swap3A_529 = vector.load %arg3[%swap3A_527, %swap3A_528] : memref<50x512xi32, #tpu.memory_space<vmem>>, vector<1x512xi32>
    %swap3A_530 = vector.shape_cast %swap3A_529 : vector<1x512xi32> to vector<512xi32>
    %swap3A_531 = vector.shape_cast %convert_element_type3A_526 : vector<512xi32> to vector<1x512xi32>
    tpu.vector_store %arg3[%swap3A_527, %swap3A_528], %swap3A_531 {strides = array<i32>} : memref<50x512xi32, #tpu.memory_space<vmem>>, vector<1x512xi32>,
    %jit3A_532 = arith.constant 0xFF800000 : f32
    %broadcast_in_dim3A_533 = vector.broadcast %jit3A_532 : f32 to vector<1000x512xf32>
    %select_n3A_534 = arith.select %eq3A_520, %broadcast_in_dim3A_533, %select_n3A_507 : vector<1000x512xi1>, vector<1000x512xf32>
    %reduce_max3A_535 = arith.constant dense<0xFF800000> : vector<512xf32>
    %reduce_max3A_536 = vector.multi_reduction <maximumf>, %select_n3A_534, %reduce_max3A_535 [0] : vector<1000x512xf32> to vector<512xf32>
    %broadcast_in_dim3A_537 = vector.shape_cast %reduce_max3A_536 : vector<512xf32> to vector<1x512xf32>
    %eq3A_538 = vector.broadcast %broadcast_in_dim3A_537 : vector<1x512xf32> to vector<1000x512xf32>
    %eq3A_539 = arith.cmpf oeq, %select_n3A_534, %eq3A_538 : vector<1000x512xf32>
    %jit3A_540 = arith.constant 1.001000e+03 : f32
    %broadcast_in_dim3A_541 = vector.broadcast %jit3A_540 : f32 to vector<1000x512xf32>
    %select_n3A_542 = arith.select %eq3A_539, %convert_element_type3A, %broadcast_in_dim3A_541 : vector<1000x512xi1>, vector<1000x512xf32>
    %reduce_min3A_543 = arith.constant dense<0x7F800000> : vector<512xf32>
    %reduce_min3A_544 = vector.multi_reduction <minimumf>, %select_n3A_542, %reduce_min3A_543 [0] : vector<1000x512xf32> to vector<512xf32>
    %broadcast_in_dim3A_545 = vector.shape_cast %reduce_min3A_544 : vector<512xf32> to vector<1x512xf32>
    %eq3A_546 = vector.broadcast %broadcast_in_dim3A_545 : vector<1x512xf32> to vector<1000x512xf32>
    %eq3A_547 = arith.cmpf oeq, %select_n3A_542, %eq3A_546 : vector<1000x512xf32>
    %swap3A_548 = arith.constant 20 : index
    %swap3A_549 = arith.constant 0 : index
    %swap3A_550 = vector.load %arg2[%swap3A_548, %swap3A_549] : memref<50x512xf32, #tpu.memory_space<vmem>>, vector<1x512xf32>
    %swap3A_551 = vector.shape_cast %swap3A_550 : vector<1x512xf32> to vector<512xf32>
    %swap3A_552 = vector.shape_cast %reduce_max3A_536 : vector<512xf32> to vector<1x512xf32>
    tpu.vector_store %arg2[%swap3A_548, %swap3A_549], %swap3A_552 {strides = array<i32>} : memref<50x512xf32, #tpu.memory_space<vmem>>, vector<1x512xf32>,
    %convert_element_type3A_553 = arith.fptosi %reduce_min3A_544 : vector<512xf32> to vector<512xi32>
    %swap3A_554 = arith.constant 20 : index
    %swap3A_555 = arith.constant 0 : index
    %swap3A_556 = vector.load %arg3[%swap3A_554, %swap3A_555] : memref<50x512xi32, #tpu.memory_space<vmem>>, vector<1x512xi32>
    %swap3A_557 = vector.shape_cast %swap3A_556 : vector<1x512xi32> to vector<512xi32>
    %swap3A_558 = vector.shape_cast %convert_element_type3A_553 : vector<512xi32> to vector<1x512xi32>
    tpu.vector_store %arg3[%swap3A_554, %swap3A_555], %swap3A_558 {strides = array<i32>} : memref<50x512xi32, #tpu.memory_space<vmem>>, vector<1x512xi32>,
    %jit3A_559 = arith.constant 0xFF800000 : f32
    %broadcast_in_dim3A_560 = vector.broadcast %jit3A_559 : f32 to vector<1000x512xf32>
    %select_n3A_561 = arith.select %eq3A_547, %broadcast_in_dim3A_560, %select_n3A_534 : vector<1000x512xi1>, vector<1000x512xf32>
    %reduce_max3A_562 = arith.constant dense<0xFF800000> : vector<512xf32>
    %reduce_max3A_563 = vector.multi_reduction <maximumf>, %select_n3A_561, %reduce_max3A_562 [0] : vector<1000x512xf32> to vector<512xf32>
    %broadcast_in_dim3A_564 = vector.shape_cast %reduce_max3A_563 : vector<512xf32> to vector<1x512xf32>
    %eq3A_565 = vector.broadcast %broadcast_in_dim3A_564 : vector<1x512xf32> to vector<1000x512xf32>
    %eq3A_566 = arith.cmpf oeq, %select_n3A_561, %eq3A_565 : vector<1000x512xf32>
    %jit3A_567 = arith.constant 1.001000e+03 : f32
    %broadcast_in_dim3A_568 = vector.broadcast %jit3A_567 : f32 to vector<1000x512xf32>
    %select_n3A_569 = arith.select %eq3A_566, %convert_element_type3A, %broadcast_in_dim3A_568 : vector<1000x512xi1>, vector<1000x512xf32>
    %reduce_min3A_570 = arith.constant dense<0x7F800000> : vector<512xf32>
    %reduce_min3A_571 = vector.multi_reduction <minimumf>, %select_n3A_569, %reduce_min3A_570 [0] : vector<1000x512xf32> to vector<512xf32>
    %broadcast_in_dim3A_572 = vector.shape_cast %reduce_min3A_571 : vector<512xf32> to vector<1x512xf32>
    %eq3A_573 = vector.broadcast %broadcast_in_dim3A_572 : vector<1x512xf32> to vector<1000x512xf32>
    %eq3A_574 = arith.cmpf oeq, %select_n3A_569, %eq3A_573 : vector<1000x512xf32>
    %swap3A_575 = arith.constant 21 : index
    %swap3A_576 = arith.constant 0 : index
    %swap3A_577 = vector.load %arg2[%swap3A_575, %swap3A_576] : memref<50x512xf32, #tpu.memory_space<vmem>>, vector<1x512xf32>
    %swap3A_578 = vector.shape_cast %swap3A_577 : vector<1x512xf32> to vector<512xf32>
    %swap3A_579 = vector.shape_cast %reduce_max3A_563 : vector<512xf32> to vector<1x512xf32>
    tpu.vector_store %arg2[%swap3A_575, %swap3A_576], %swap3A_579 {strides = array<i32>} : memref<50x512xf32, #tpu.memory_space<vmem>>, vector<1x512xf32>,
    %convert_element_type3A_580 = arith.fptosi %reduce_min3A_571 : vector<512xf32> to vector<512xi32>
    %swap3A_581 = arith.constant 21 : index
    %swap3A_582 = arith.constant 0 : index
    %swap3A_583 = vector.load %arg3[%swap3A_581, %swap3A_582] : memref<50x512xi32, #tpu.memory_space<vmem>>, vector<1x512xi32>
    %swap3A_584 = vector.shape_cast %swap3A_583 : vector<1x512xi32> to vector<512xi32>
    %swap3A_585 = vector.shape_cast %convert_element_type3A_580 : vector<512xi32> to vector<1x512xi32>
    tpu.vector_store %arg3[%swap3A_581, %swap3A_582], %swap3A_585 {strides = array<i32>} : memref<50x512xi32, #tpu.memory_space<vmem>>, vector<1x512xi32>,
    %jit3A_586 = arith.constant 0xFF800000 : f32
    %broadcast_in_dim3A_587 = vector.broadcast %jit3A_586 : f32 to vector<1000x512xf32>
    %select_n3A_588 = arith.select %eq3A_574, %broadcast_in_dim3A_587, %select_n3A_561 : vector<1000x512xi1>, vector<1000x512xf32>
    %reduce_max3A_589 = arith.constant dense<0xFF800000> : vector<512xf32>
    %reduce_max3A_590 = vector.multi_reduction <maximumf>, %select_n3A_588, %reduce_max3A_589 [0] : vector<1000x512xf32> to vector<512xf32>
    %broadcast_in_dim3A_591 = vector.shape_cast %reduce_max3A_590 : vector<512xf32> to vector<1x512xf32>
    %eq3A_592 = vector.broadcast %broadcast_in_dim3A_591 : vector<1x512xf32> to vector<1000x512xf32>
    %eq3A_593 = arith.cmpf oeq, %select_n3A_588, %eq3A_592 : vector<1000x512xf32>
    %jit3A_594 = arith.constant 1.001000e+03 : f32
    %broadcast_in_dim3A_595 = vector.broadcast %jit3A_594 : f32 to vector<1000x512xf32>
    %select_n3A_596 = arith.select %eq3A_593, %convert_element_type3A, %broadcast_in_dim3A_595 : vector<1000x512xi1>, vector<1000x512xf32>
    %reduce_min3A_597 = arith.constant dense<0x7F800000> : vector<512xf32>
    %reduce_min3A_598 = vector.multi_reduction <minimumf>, %select_n3A_596, %reduce_min3A_597 [0] : vector<1000x512xf32> to vector<512xf32>
    %broadcast_in_dim3A_599 = vector.shape_cast %reduce_min3A_598 : vector<512xf32> to vector<1x512xf32>
    %eq3A_600 = vector.broadcast %broadcast_in_dim3A_599 : vector<1x512xf32> to vector<1000x512xf32>
    %eq3A_601 = arith.cmpf oeq, %select_n3A_596, %eq3A_600 : vector<1000x512xf32>
    %swap3A_602 = arith.constant 22 : index
    %swap3A_603 = arith.constant 0 : index
    %swap3A_604 = vector.load %arg2[%swap3A_602, %swap3A_603] : memref<50x512xf32, #tpu.memory_space<vmem>>, vector<1x512xf32>
    %swap3A_605 = vector.shape_cast %swap3A_604 : vector<1x512xf32> to vector<512xf32>
    %swap3A_606 = vector.shape_cast %reduce_max3A_590 : vector<512xf32> to vector<1x512xf32>
    tpu.vector_store %arg2[%swap3A_602, %swap3A_603], %swap3A_606 {strides = array<i32>} : memref<50x512xf32, #tpu.memory_space<vmem>>, vector<1x512xf32>,
    %convert_element_type3A_607 = arith.fptosi %reduce_min3A_598 : vector<512xf32> to vector<512xi32>
    %swap3A_608 = arith.constant 22 : index
    %swap3A_609 = arith.constant 0 : index
    %swap3A_610 = vector.load %arg3[%swap3A_608, %swap3A_609] : memref<50x512xi32, #tpu.memory_space<vmem>>, vector<1x512xi32>
    %swap3A_611 = vector.shape_cast %swap3A_610 : vector<1x512xi32> to vector<512xi32>
    %swap3A_612 = vector.shape_cast %convert_element_type3A_607 : vector<512xi32> to vector<1x512xi32>
    tpu.vector_store %arg3[%swap3A_608, %swap3A_609], %swap3A_612 {strides = array<i32>} : memref<50x512xi32, #tpu.memory_space<vmem>>, vector<1x512xi32>,
    %jit3A_613 = arith.constant 0xFF800000 : f32
    %broadcast_in_dim3A_614 = vector.broadcast %jit3A_613 : f32 to vector<1000x512xf32>
    %select_n3A_615 = arith.select %eq3A_601, %broadcast_in_dim3A_614, %select_n3A_588 : vector<1000x512xi1>, vector<1000x512xf32>
    %reduce_max3A_616 = arith.constant dense<0xFF800000> : vector<512xf32>
    %reduce_max3A_617 = vector.multi_reduction <maximumf>, %select_n3A_615, %reduce_max3A_616 [0] : vector<1000x512xf32> to vector<512xf32>
    %broadcast_in_dim3A_618 = vector.shape_cast %reduce_max3A_617 : vector<512xf32> to vector<1x512xf32>
    %eq3A_619 = vector.broadcast %broadcast_in_dim3A_618 : vector<1x512xf32> to vector<1000x512xf32>
    %eq3A_620 = arith.cmpf oeq, %select_n3A_615, %eq3A_619 : vector<1000x512xf32>
    %jit3A_621 = arith.constant 1.001000e+03 : f32
    %broadcast_in_dim3A_622 = vector.broadcast %jit3A_621 : f32 to vector<1000x512xf32>
    %select_n3A_623 = arith.select %eq3A_620, %convert_element_type3A, %broadcast_in_dim3A_622 : vector<1000x512xi1>, vector<1000x512xf32>
    %reduce_min3A_624 = arith.constant dense<0x7F800000> : vector<512xf32>
    %reduce_min3A_625 = vector.multi_reduction <minimumf>, %select_n3A_623, %reduce_min3A_624 [0] : vector<1000x512xf32> to vector<512xf32>
    %broadcast_in_dim3A_626 = vector.shape_cast %reduce_min3A_625 : vector<512xf32> to vector<1x512xf32>
    %eq3A_627 = vector.broadcast %broadcast_in_dim3A_626 : vector<1x512xf32> to vector<1000x512xf32>
    %eq3A_628 = arith.cmpf oeq, %select_n3A_623, %eq3A_627 : vector<1000x512xf32>
    %swap3A_629 = arith.constant 23 : index
    %swap3A_630 = arith.constant 0 : index
    %swap3A_631 = vector.load %arg2[%swap3A_629, %swap3A_630] : memref<50x512xf32, #tpu.memory_space<vmem>>, vector<1x512xf32>
    %swap3A_632 = vector.shape_cast %swap3A_631 : vector<1x512xf32> to vector<512xf32>
    %swap3A_633 = vector.shape_cast %reduce_max3A_617 : vector<512xf32> to vector<1x512xf32>
    tpu.vector_store %arg2[%swap3A_629, %swap3A_630], %swap3A_633 {strides = array<i32>} : memref<50x512xf32, #tpu.memory_space<vmem>>, vector<1x512xf32>,
    %convert_element_type3A_634 = arith.fptosi %reduce_min3A_625 : vector<512xf32> to vector<512xi32>
    %swap3A_635 = arith.constant 23 : index
    %swap3A_636 = arith.constant 0 : index
    %swap3A_637 = vector.load %arg3[%swap3A_635, %swap3A_636] : memref<50x512xi32, #tpu.memory_space<vmem>>, vector<1x512xi32>
    %swap3A_638 = vector.shape_cast %swap3A_637 : vector<1x512xi32> to vector<512xi32>
    %swap3A_639 = vector.shape_cast %convert_element_type3A_634 : vector<512xi32> to vector<1x512xi32>
    tpu.vector_store %arg3[%swap3A_635, %swap3A_636], %swap3A_639 {strides = array<i32>} : memref<50x512xi32, #tpu.memory_space<vmem>>, vector<1x512xi32>,
    %jit3A_640 = arith.constant 0xFF800000 : f32
    %broadcast_in_dim3A_641 = vector.broadcast %jit3A_640 : f32 to vector<1000x512xf32>
    %select_n3A_642 = arith.select %eq3A_628, %broadcast_in_dim3A_641, %select_n3A_615 : vector<1000x512xi1>, vector<1000x512xf32>
    %reduce_max3A_643 = arith.constant dense<0xFF800000> : vector<512xf32>
    %reduce_max3A_644 = vector.multi_reduction <maximumf>, %select_n3A_642, %reduce_max3A_643 [0] : vector<1000x512xf32> to vector<512xf32>
    %broadcast_in_dim3A_645 = vector.shape_cast %reduce_max3A_644 : vector<512xf32> to vector<1x512xf32>
    %eq3A_646 = vector.broadcast %broadcast_in_dim3A_645 : vector<1x512xf32> to vector<1000x512xf32>
    %eq3A_647 = arith.cmpf oeq, %select_n3A_642, %eq3A_646 : vector<1000x512xf32>
    %jit3A_648 = arith.constant 1.001000e+03 : f32
    %broadcast_in_dim3A_649 = vector.broadcast %jit3A_648 : f32 to vector<1000x512xf32>
    %select_n3A_650 = arith.select %eq3A_647, %convert_element_type3A, %broadcast_in_dim3A_649 : vector<1000x512xi1>, vector<1000x512xf32>
    %reduce_min3A_651 = arith.constant dense<0x7F800000> : vector<512xf32>
    %reduce_min3A_652 = vector.multi_reduction <minimumf>, %select_n3A_650, %reduce_min3A_651 [0] : vector<1000x512xf32> to vector<512xf32>
    %broadcast_in_dim3A_653 = vector.shape_cast %reduce_min3A_652 : vector<512xf32> to vector<1x512xf32>
    %eq3A_654 = vector.broadcast %broadcast_in_dim3A_653 : vector<1x512xf32> to vector<1000x512xf32>
    %eq3A_655 = arith.cmpf oeq, %select_n3A_650, %eq3A_654 : vector<1000x512xf32>
    %swap3A_656 = arith.constant 24 : index
    %swap3A_657 = arith.constant 0 : index
    %swap3A_658 = vector.load %arg2[%swap3A_656, %swap3A_657] : memref<50x512xf32, #tpu.memory_space<vmem>>, vector<1x512xf32>
    %swap3A_659 = vector.shape_cast %swap3A_658 : vector<1x512xf32> to vector<512xf32>
    %swap3A_660 = vector.shape_cast %reduce_max3A_644 : vector<512xf32> to vector<1x512xf32>
    tpu.vector_store %arg2[%swap3A_656, %swap3A_657], %swap3A_660 {strides = array<i32>} : memref<50x512xf32, #tpu.memory_space<vmem>>, vector<1x512xf32>,
    %convert_element_type3A_661 = arith.fptosi %reduce_min3A_652 : vector<512xf32> to vector<512xi32>
    %swap3A_662 = arith.constant 24 : index
    %swap3A_663 = arith.constant 0 : index
    %swap3A_664 = vector.load %arg3[%swap3A_662, %swap3A_663] : memref<50x512xi32, #tpu.memory_space<vmem>>, vector<1x512xi32>
    %swap3A_665 = vector.shape_cast %swap3A_664 : vector<1x512xi32> to vector<512xi32>
    %swap3A_666 = vector.shape_cast %convert_element_type3A_661 : vector<512xi32> to vector<1x512xi32>
    tpu.vector_store %arg3[%swap3A_662, %swap3A_663], %swap3A_666 {strides = array<i32>} : memref<50x512xi32, #tpu.memory_space<vmem>>, vector<1x512xi32>,
    %jit3A_667 = arith.constant 0xFF800000 : f32
    %broadcast_in_dim3A_668 = vector.broadcast %jit3A_667 : f32 to vector<1000x512xf32>
    %select_n3A_669 = arith.select %eq3A_655, %broadcast_in_dim3A_668, %select_n3A_642 : vector<1000x512xi1>, vector<1000x512xf32>
    %reduce_max3A_670 = arith.constant dense<0xFF800000> : vector<512xf32>
    %reduce_max3A_671 = vector.multi_reduction <maximumf>, %select_n3A_669, %reduce_max3A_670 [0] : vector<1000x512xf32> to vector<512xf32>
    %broadcast_in_dim3A_672 = vector.shape_cast %reduce_max3A_671 : vector<512xf32> to vector<1x512xf32>
    %eq3A_673 = vector.broadcast %broadcast_in_dim3A_672 : vector<1x512xf32> to vector<1000x512xf32>
    %eq3A_674 = arith.cmpf oeq, %select_n3A_669, %eq3A_673 : vector<1000x512xf32>
    %jit3A_675 = arith.constant 1.001000e+03 : f32
    %broadcast_in_dim3A_676 = vector.broadcast %jit3A_675 : f32 to vector<1000x512xf32>
    %select_n3A_677 = arith.select %eq3A_674, %convert_element_type3A, %broadcast_in_dim3A_676 : vector<1000x512xi1>, vector<1000x512xf32>
    %reduce_min3A_678 = arith.constant dense<0x7F800000> : vector<512xf32>
    %reduce_min3A_679 = vector.multi_reduction <minimumf>, %select_n3A_677, %reduce_min3A_678 [0] : vector<1000x512xf32> to vector<512xf32>
    %broadcast_in_dim3A_680 = vector.shape_cast %reduce_min3A_679 : vector<512xf32> to vector<1x512xf32>
    %eq3A_681 = vector.broadcast %broadcast_in_dim3A_680 : vector<1x512xf32> to vector<1000x512xf32>
    %eq3A_682 = arith.cmpf oeq, %select_n3A_677, %eq3A_681 : vector<1000x512xf32>
    %swap3A_683 = arith.constant 25 : index
    %swap3A_684 = arith.constant 0 : index
    %swap3A_685 = vector.load %arg2[%swap3A_683, %swap3A_684] : memref<50x512xf32, #tpu.memory_space<vmem>>, vector<1x512xf32>
    %swap3A_686 = vector.shape_cast %swap3A_685 : vector<1x512xf32> to vector<512xf32>
    %swap3A_687 = vector.shape_cast %reduce_max3A_671 : vector<512xf32> to vector<1x512xf32>
    tpu.vector_store %arg2[%swap3A_683, %swap3A_684], %swap3A_687 {strides = array<i32>} : memref<50x512xf32, #tpu.memory_space<vmem>>, vector<1x512xf32>,
    %convert_element_type3A_688 = arith.fptosi %reduce_min3A_679 : vector<512xf32> to vector<512xi32>
    %swap3A_689 = arith.constant 25 : index
    %swap3A_690 = arith.constant 0 : index
    %swap3A_691 = vector.load %arg3[%swap3A_689, %swap3A_690] : memref<50x512xi32, #tpu.memory_space<vmem>>, vector<1x512xi32>
    %swap3A_692 = vector.shape_cast %swap3A_691 : vector<1x512xi32> to vector<512xi32>
    %swap3A_693 = vector.shape_cast %convert_element_type3A_688 : vector<512xi32> to vector<1x512xi32>
    tpu.vector_store %arg3[%swap3A_689, %swap3A_690], %swap3A_693 {strides = array<i32>} : memref<50x512xi32, #tpu.memory_space<vmem>>, vector<1x512xi32>,
    %jit3A_694 = arith.constant 0xFF800000 : f32
    %broadcast_in_dim3A_695 = vector.broadcast %jit3A_694 : f32 to vector<1000x512xf32>
    %select_n3A_696 = arith.select %eq3A_682, %broadcast_in_dim3A_695, %select_n3A_669 : vector<1000x512xi1>, vector<1000x512xf32>
    %reduce_max3A_697 = arith.constant dense<0xFF800000> : vector<512xf32>
    %reduce_max3A_698 = vector.multi_reduction <maximumf>, %select_n3A_696, %reduce_max3A_697 [0] : vector<1000x512xf32> to vector<512xf32>
    %broadcast_in_dim3A_699 = vector.shape_cast %reduce_max3A_698 : vector<512xf32> to vector<1x512xf32>
    %eq3A_700 = vector.broadcast %broadcast_in_dim3A_699 : vector<1x512xf32> to vector<1000x512xf32>
    %eq3A_701 = arith.cmpf oeq, %select_n3A_696, %eq3A_700 : vector<1000x512xf32>
    %jit3A_702 = arith.constant 1.001000e+03 : f32
    %broadcast_in_dim3A_703 = vector.broadcast %jit3A_702 : f32 to vector<1000x512xf32>
    %select_n3A_704 = arith.select %eq3A_701, %convert_element_type3A, %broadcast_in_dim3A_703 : vector<1000x512xi1>, vector<1000x512xf32>
    %reduce_min3A_705 = arith.constant dense<0x7F800000> : vector<512xf32>
    %reduce_min3A_706 = vector.multi_reduction <minimumf>, %select_n3A_704, %reduce_min3A_705 [0] : vector<1000x512xf32> to vector<512xf32>
    %broadcast_in_dim3A_707 = vector.shape_cast %reduce_min3A_706 : vector<512xf32> to vector<1x512xf32>
    %eq3A_708 = vector.broadcast %broadcast_in_dim3A_707 : vector<1x512xf32> to vector<1000x512xf32>
    %eq3A_709 = arith.cmpf oeq, %select_n3A_704, %eq3A_708 : vector<1000x512xf32>
    %swap3A_710 = arith.constant 26 : index
    %swap3A_711 = arith.constant 0 : index
    %swap3A_712 = vector.load %arg2[%swap3A_710, %swap3A_711] : memref<50x512xf32, #tpu.memory_space<vmem>>, vector<1x512xf32>
    %swap3A_713 = vector.shape_cast %swap3A_712 : vector<1x512xf32> to vector<512xf32>
    %swap3A_714 = vector.shape_cast %reduce_max3A_698 : vector<512xf32> to vector<1x512xf32>
    tpu.vector_store %arg2[%swap3A_710, %swap3A_711], %swap3A_714 {strides = array<i32>} : memref<50x512xf32, #tpu.memory_space<vmem>>, vector<1x512xf32>,
    %convert_element_type3A_715 = arith.fptosi %reduce_min3A_706 : vector<512xf32> to vector<512xi32>
    %swap3A_716 = arith.constant 26 : index
    %swap3A_717 = arith.constant 0 : index
    %swap3A_718 = vector.load %arg3[%swap3A_716, %swap3A_717] : memref<50x512xi32, #tpu.memory_space<vmem>>, vector<1x512xi32>
    %swap3A_719 = vector.shape_cast %swap3A_718 : vector<1x512xi32> to vector<512xi32>
    %swap3A_720 = vector.shape_cast %convert_element_type3A_715 : vector<512xi32> to vector<1x512xi32>
    tpu.vector_store %arg3[%swap3A_716, %swap3A_717], %swap3A_720 {strides = array<i32>} : memref<50x512xi32, #tpu.memory_space<vmem>>, vector<1x512xi32>,
    %jit3A_721 = arith.constant 0xFF800000 : f32
    %broadcast_in_dim3A_722 = vector.broadcast %jit3A_721 : f32 to vector<1000x512xf32>
    %select_n3A_723 = arith.select %eq3A_709, %broadcast_in_dim3A_722, %select_n3A_696 : vector<1000x512xi1>, vector<1000x512xf32>
    %reduce_max3A_724 = arith.constant dense<0xFF800000> : vector<512xf32>
    %reduce_max3A_725 = vector.multi_reduction <maximumf>, %select_n3A_723, %reduce_max3A_724 [0] : vector<1000x512xf32> to vector<512xf32>
    %broadcast_in_dim3A_726 = vector.shape_cast %reduce_max3A_725 : vector<512xf32> to vector<1x512xf32>
    %eq3A_727 = vector.broadcast %broadcast_in_dim3A_726 : vector<1x512xf32> to vector<1000x512xf32>
    %eq3A_728 = arith.cmpf oeq, %select_n3A_723, %eq3A_727 : vector<1000x512xf32>
    %jit3A_729 = arith.constant 1.001000e+03 : f32
    %broadcast_in_dim3A_730 = vector.broadcast %jit3A_729 : f32 to vector<1000x512xf32>
    %select_n3A_731 = arith.select %eq3A_728, %convert_element_type3A, %broadcast_in_dim3A_730 : vector<1000x512xi1>, vector<1000x512xf32>
    %reduce_min3A_732 = arith.constant dense<0x7F800000> : vector<512xf32>
    %reduce_min3A_733 = vector.multi_reduction <minimumf>, %select_n3A_731, %reduce_min3A_732 [0] : vector<1000x512xf32> to vector<512xf32>
    %broadcast_in_dim3A_734 = vector.shape_cast %reduce_min3A_733 : vector<512xf32> to vector<1x512xf32>
    %eq3A_735 = vector.broadcast %broadcast_in_dim3A_734 : vector<1x512xf32> to vector<1000x512xf32>
    %eq3A_736 = arith.cmpf oeq, %select_n3A_731, %eq3A_735 : vector<1000x512xf32>
    %swap3A_737 = arith.constant 27 : index
    %swap3A_738 = arith.constant 0 : index
    %swap3A_739 = vector.load %arg2[%swap3A_737, %swap3A_738] : memref<50x512xf32, #tpu.memory_space<vmem>>, vector<1x512xf32>
    %swap3A_740 = vector.shape_cast %swap3A_739 : vector<1x512xf32> to vector<512xf32>
    %swap3A_741 = vector.shape_cast %reduce_max3A_725 : vector<512xf32> to vector<1x512xf32>
    tpu.vector_store %arg2[%swap3A_737, %swap3A_738], %swap3A_741 {strides = array<i32>} : memref<50x512xf32, #tpu.memory_space<vmem>>, vector<1x512xf32>,
    %convert_element_type3A_742 = arith.fptosi %reduce_min3A_733 : vector<512xf32> to vector<512xi32>
    %swap3A_743 = arith.constant 27 : index
    %swap3A_744 = arith.constant 0 : index
    %swap3A_745 = vector.load %arg3[%swap3A_743, %swap3A_744] : memref<50x512xi32, #tpu.memory_space<vmem>>, vector<1x512xi32>
    %swap3A_746 = vector.shape_cast %swap3A_745 : vector<1x512xi32> to vector<512xi32>
    %swap3A_747 = vector.shape_cast %convert_element_type3A_742 : vector<512xi32> to vector<1x512xi32>
    tpu.vector_store %arg3[%swap3A_743, %swap3A_744], %swap3A_747 {strides = array<i32>} : memref<50x512xi32, #tpu.memory_space<vmem>>, vector<1x512xi32>,
    %jit3A_748 = arith.constant 0xFF800000 : f32
    %broadcast_in_dim3A_749 = vector.broadcast %jit3A_748 : f32 to vector<1000x512xf32>
    %select_n3A_750 = arith.select %eq3A_736, %broadcast_in_dim3A_749, %select_n3A_723 : vector<1000x512xi1>, vector<1000x512xf32>
    %reduce_max3A_751 = arith.constant dense<0xFF800000> : vector<512xf32>
    %reduce_max3A_752 = vector.multi_reduction <maximumf>, %select_n3A_750, %reduce_max3A_751 [0] : vector<1000x512xf32> to vector<512xf32>
    %broadcast_in_dim3A_753 = vector.shape_cast %reduce_max3A_752 : vector<512xf32> to vector<1x512xf32>
    %eq3A_754 = vector.broadcast %broadcast_in_dim3A_753 : vector<1x512xf32> to vector<1000x512xf32>
    %eq3A_755 = arith.cmpf oeq, %select_n3A_750, %eq3A_754 : vector<1000x512xf32>
    %jit3A_756 = arith.constant 1.001000e+03 : f32
    %broadcast_in_dim3A_757 = vector.broadcast %jit3A_756 : f32 to vector<1000x512xf32>
    %select_n3A_758 = arith.select %eq3A_755, %convert_element_type3A, %broadcast_in_dim3A_757 : vector<1000x512xi1>, vector<1000x512xf32>
    %reduce_min3A_759 = arith.constant dense<0x7F800000> : vector<512xf32>
    %reduce_min3A_760 = vector.multi_reduction <minimumf>, %select_n3A_758, %reduce_min3A_759 [0] : vector<1000x512xf32> to vector<512xf32>
    %broadcast_in_dim3A_761 = vector.shape_cast %reduce_min3A_760 : vector<512xf32> to vector<1x512xf32>
    %eq3A_762 = vector.broadcast %broadcast_in_dim3A_761 : vector<1x512xf32> to vector<1000x512xf32>
    %eq3A_763 = arith.cmpf oeq, %select_n3A_758, %eq3A_762 : vector<1000x512xf32>
    %swap3A_764 = arith.constant 28 : index
    %swap3A_765 = arith.constant 0 : index
    %swap3A_766 = vector.load %arg2[%swap3A_764, %swap3A_765] : memref<50x512xf32, #tpu.memory_space<vmem>>, vector<1x512xf32>
    %swap3A_767 = vector.shape_cast %swap3A_766 : vector<1x512xf32> to vector<512xf32>
    %swap3A_768 = vector.shape_cast %reduce_max3A_752 : vector<512xf32> to vector<1x512xf32>
    tpu.vector_store %arg2[%swap3A_764, %swap3A_765], %swap3A_768 {strides = array<i32>} : memref<50x512xf32, #tpu.memory_space<vmem>>, vector<1x512xf32>,
    %convert_element_type3A_769 = arith.fptosi %reduce_min3A_760 : vector<512xf32> to vector<512xi32>
    %swap3A_770 = arith.constant 28 : index
    %swap3A_771 = arith.constant 0 : index
    %swap3A_772 = vector.load %arg3[%swap3A_770, %swap3A_771] : memref<50x512xi32, #tpu.memory_space<vmem>>, vector<1x512xi32>
    %swap3A_773 = vector.shape_cast %swap3A_772 : vector<1x512xi32> to vector<512xi32>
    %swap3A_774 = vector.shape_cast %convert_element_type3A_769 : vector<512xi32> to vector<1x512xi32>
    tpu.vector_store %arg3[%swap3A_770, %swap3A_771], %swap3A_774 {strides = array<i32>} : memref<50x512xi32, #tpu.memory_space<vmem>>, vector<1x512xi32>,
    %jit3A_775 = arith.constant 0xFF800000 : f32
    %broadcast_in_dim3A_776 = vector.broadcast %jit3A_775 : f32 to vector<1000x512xf32>
    %select_n3A_777 = arith.select %eq3A_763, %broadcast_in_dim3A_776, %select_n3A_750 : vector<1000x512xi1>, vector<1000x512xf32>
    %reduce_max3A_778 = arith.constant dense<0xFF800000> : vector<512xf32>
    %reduce_max3A_779 = vector.multi_reduction <maximumf>, %select_n3A_777, %reduce_max3A_778 [0] : vector<1000x512xf32> to vector<512xf32>
    %broadcast_in_dim3A_780 = vector.shape_cast %reduce_max3A_779 : vector<512xf32> to vector<1x512xf32>
    %eq3A_781 = vector.broadcast %broadcast_in_dim3A_780 : vector<1x512xf32> to vector<1000x512xf32>
    %eq3A_782 = arith.cmpf oeq, %select_n3A_777, %eq3A_781 : vector<1000x512xf32>
    %jit3A_783 = arith.constant 1.001000e+03 : f32
    %broadcast_in_dim3A_784 = vector.broadcast %jit3A_783 : f32 to vector<1000x512xf32>
    %select_n3A_785 = arith.select %eq3A_782, %convert_element_type3A, %broadcast_in_dim3A_784 : vector<1000x512xi1>, vector<1000x512xf32>
    %reduce_min3A_786 = arith.constant dense<0x7F800000> : vector<512xf32>
    %reduce_min3A_787 = vector.multi_reduction <minimumf>, %select_n3A_785, %reduce_min3A_786 [0] : vector<1000x512xf32> to vector<512xf32>
    %broadcast_in_dim3A_788 = vector.shape_cast %reduce_min3A_787 : vector<512xf32> to vector<1x512xf32>
    %eq3A_789 = vector.broadcast %broadcast_in_dim3A_788 : vector<1x512xf32> to vector<1000x512xf32>
    %eq3A_790 = arith.cmpf oeq, %select_n3A_785, %eq3A_789 : vector<1000x512xf32>
    %swap3A_791 = arith.constant 29 : index
    %swap3A_792 = arith.constant 0 : index
    %swap3A_793 = vector.load %arg2[%swap3A_791, %swap3A_792] : memref<50x512xf32, #tpu.memory_space<vmem>>, vector<1x512xf32>
    %swap3A_794 = vector.shape_cast %swap3A_793 : vector<1x512xf32> to vector<512xf32>
    %swap3A_795 = vector.shape_cast %reduce_max3A_779 : vector<512xf32> to vector<1x512xf32>
    tpu.vector_store %arg2[%swap3A_791, %swap3A_792], %swap3A_795 {strides = array<i32>} : memref<50x512xf32, #tpu.memory_space<vmem>>, vector<1x512xf32>,
    %convert_element_type3A_796 = arith.fptosi %reduce_min3A_787 : vector<512xf32> to vector<512xi32>
    %swap3A_797 = arith.constant 29 : index
    %swap3A_798 = arith.constant 0 : index
    %swap3A_799 = vector.load %arg3[%swap3A_797, %swap3A_798] : memref<50x512xi32, #tpu.memory_space<vmem>>, vector<1x512xi32>
    %swap3A_800 = vector.shape_cast %swap3A_799 : vector<1x512xi32> to vector<512xi32>
    %swap3A_801 = vector.shape_cast %convert_element_type3A_796 : vector<512xi32> to vector<1x512xi32>
    tpu.vector_store %arg3[%swap3A_797, %swap3A_798], %swap3A_801 {strides = array<i32>} : memref<50x512xi32, #tpu.memory_space<vmem>>, vector<1x512xi32>,
    %jit3A_802 = arith.constant 0xFF800000 : f32
    %broadcast_in_dim3A_803 = vector.broadcast %jit3A_802 : f32 to vector<1000x512xf32>
    %select_n3A_804 = arith.select %eq3A_790, %broadcast_in_dim3A_803, %select_n3A_777 : vector<1000x512xi1>, vector<1000x512xf32>
    %reduce_max3A_805 = arith.constant dense<0xFF800000> : vector<512xf32>
    %reduce_max3A_806 = vector.multi_reduction <maximumf>, %select_n3A_804, %reduce_max3A_805 [0] : vector<1000x512xf32> to vector<512xf32>
    %broadcast_in_dim3A_807 = vector.shape_cast %reduce_max3A_806 : vector<512xf32> to vector<1x512xf32>
    %eq3A_808 = vector.broadcast %broadcast_in_dim3A_807 : vector<1x512xf32> to vector<1000x512xf32>
    %eq3A_809 = arith.cmpf oeq, %select_n3A_804, %eq3A_808 : vector<1000x512xf32>
    %jit3A_810 = arith.constant 1.001000e+03 : f32
    %broadcast_in_dim3A_811 = vector.broadcast %jit3A_810 : f32 to vector<1000x512xf32>
    %select_n3A_812 = arith.select %eq3A_809, %convert_element_type3A, %broadcast_in_dim3A_811 : vector<1000x512xi1>, vector<1000x512xf32>
    %reduce_min3A_813 = arith.constant dense<0x7F800000> : vector<512xf32>
    %reduce_min3A_814 = vector.multi_reduction <minimumf>, %select_n3A_812, %reduce_min3A_813 [0] : vector<1000x512xf32> to vector<512xf32>
    %broadcast_in_dim3A_815 = vector.shape_cast %reduce_min3A_814 : vector<512xf32> to vector<1x512xf32>
    %eq3A_816 = vector.broadcast %broadcast_in_dim3A_815 : vector<1x512xf32> to vector<1000x512xf32>
    %eq3A_817 = arith.cmpf oeq, %select_n3A_812, %eq3A_816 : vector<1000x512xf32>
    %swap3A_818 = arith.constant 30 : index
    %swap3A_819 = arith.constant 0 : index
    %swap3A_820 = vector.load %arg2[%swap3A_818, %swap3A_819] : memref<50x512xf32, #tpu.memory_space<vmem>>, vector<1x512xf32>
    %swap3A_821 = vector.shape_cast %swap3A_820 : vector<1x512xf32> to vector<512xf32>
    %swap3A_822 = vector.shape_cast %reduce_max3A_806 : vector<512xf32> to vector<1x512xf32>
    tpu.vector_store %arg2[%swap3A_818, %swap3A_819], %swap3A_822 {strides = array<i32>} : memref<50x512xf32, #tpu.memory_space<vmem>>, vector<1x512xf32>,
    %convert_element_type3A_823 = arith.fptosi %reduce_min3A_814 : vector<512xf32> to vector<512xi32>
    %swap3A_824 = arith.constant 30 : index
    %swap3A_825 = arith.constant 0 : index
    %swap3A_826 = vector.load %arg3[%swap3A_824, %swap3A_825] : memref<50x512xi32, #tpu.memory_space<vmem>>, vector<1x512xi32>
    %swap3A_827 = vector.shape_cast %swap3A_826 : vector<1x512xi32> to vector<512xi32>
    %swap3A_828 = vector.shape_cast %convert_element_type3A_823 : vector<512xi32> to vector<1x512xi32>
    tpu.vector_store %arg3[%swap3A_824, %swap3A_825], %swap3A_828 {strides = array<i32>} : memref<50x512xi32, #tpu.memory_space<vmem>>, vector<1x512xi32>,
    %jit3A_829 = arith.constant 0xFF800000 : f32
    %broadcast_in_dim3A_830 = vector.broadcast %jit3A_829 : f32 to vector<1000x512xf32>
    %select_n3A_831 = arith.select %eq3A_817, %broadcast_in_dim3A_830, %select_n3A_804 : vector<1000x512xi1>, vector<1000x512xf32>
    %reduce_max3A_832 = arith.constant dense<0xFF800000> : vector<512xf32>
    %reduce_max3A_833 = vector.multi_reduction <maximumf>, %select_n3A_831, %reduce_max3A_832 [0] : vector<1000x512xf32> to vector<512xf32>
    %broadcast_in_dim3A_834 = vector.shape_cast %reduce_max3A_833 : vector<512xf32> to vector<1x512xf32>
    %eq3A_835 = vector.broadcast %broadcast_in_dim3A_834 : vector<1x512xf32> to vector<1000x512xf32>
    %eq3A_836 = arith.cmpf oeq, %select_n3A_831, %eq3A_835 : vector<1000x512xf32>
    %jit3A_837 = arith.constant 1.001000e+03 : f32
    %broadcast_in_dim3A_838 = vector.broadcast %jit3A_837 : f32 to vector<1000x512xf32>
    %select_n3A_839 = arith.select %eq3A_836, %convert_element_type3A, %broadcast_in_dim3A_838 : vector<1000x512xi1>, vector<1000x512xf32>
    %reduce_min3A_840 = arith.constant dense<0x7F800000> : vector<512xf32>
    %reduce_min3A_841 = vector.multi_reduction <minimumf>, %select_n3A_839, %reduce_min3A_840 [0] : vector<1000x512xf32> to vector<512xf32>
    %broadcast_in_dim3A_842 = vector.shape_cast %reduce_min3A_841 : vector<512xf32> to vector<1x512xf32>
    %eq3A_843 = vector.broadcast %broadcast_in_dim3A_842 : vector<1x512xf32> to vector<1000x512xf32>
    %eq3A_844 = arith.cmpf oeq, %select_n3A_839, %eq3A_843 : vector<1000x512xf32>
    %swap3A_845 = arith.constant 31 : index
    %swap3A_846 = arith.constant 0 : index
    %swap3A_847 = vector.load %arg2[%swap3A_845, %swap3A_846] : memref<50x512xf32, #tpu.memory_space<vmem>>, vector<1x512xf32>
    %swap3A_848 = vector.shape_cast %swap3A_847 : vector<1x512xf32> to vector<512xf32>
    %swap3A_849 = vector.shape_cast %reduce_max3A_833 : vector<512xf32> to vector<1x512xf32>
    tpu.vector_store %arg2[%swap3A_845, %swap3A_846], %swap3A_849 {strides = array<i32>} : memref<50x512xf32, #tpu.memory_space<vmem>>, vector<1x512xf32>,
    %convert_element_type3A_850 = arith.fptosi %reduce_min3A_841 : vector<512xf32> to vector<512xi32>
    %swap3A_851 = arith.constant 31 : index
    %swap3A_852 = arith.constant 0 : index
    %swap3A_853 = vector.load %arg3[%swap3A_851, %swap3A_852] : memref<50x512xi32, #tpu.memory_space<vmem>>, vector<1x512xi32>
    %swap3A_854 = vector.shape_cast %swap3A_853 : vector<1x512xi32> to vector<512xi32>
    %swap3A_855 = vector.shape_cast %convert_element_type3A_850 : vector<512xi32> to vector<1x512xi32>
    tpu.vector_store %arg3[%swap3A_851, %swap3A_852], %swap3A_855 {strides = array<i32>} : memref<50x512xi32, #tpu.memory_space<vmem>>, vector<1x512xi32>,
    %jit3A_856 = arith.constant 0xFF800000 : f32
    %broadcast_in_dim3A_857 = vector.broadcast %jit3A_856 : f32 to vector<1000x512xf32>
    %select_n3A_858 = arith.select %eq3A_844, %broadcast_in_dim3A_857, %select_n3A_831 : vector<1000x512xi1>, vector<1000x512xf32>
    %reduce_max3A_859 = arith.constant dense<0xFF800000> : vector<512xf32>
    %reduce_max3A_860 = vector.multi_reduction <maximumf>, %select_n3A_858, %reduce_max3A_859 [0] : vector<1000x512xf32> to vector<512xf32>
    %broadcast_in_dim3A_861 = vector.shape_cast %reduce_max3A_860 : vector<512xf32> to vector<1x512xf32>
    %eq3A_862 = vector.broadcast %broadcast_in_dim3A_861 : vector<1x512xf32> to vector<1000x512xf32>
    %eq3A_863 = arith.cmpf oeq, %select_n3A_858, %eq3A_862 : vector<1000x512xf32>
    %jit3A_864 = arith.constant 1.001000e+03 : f32
    %broadcast_in_dim3A_865 = vector.broadcast %jit3A_864 : f32 to vector<1000x512xf32>
    %select_n3A_866 = arith.select %eq3A_863, %convert_element_type3A, %broadcast_in_dim3A_865 : vector<1000x512xi1>, vector<1000x512xf32>
    %reduce_min3A_867 = arith.constant dense<0x7F800000> : vector<512xf32>
    %reduce_min3A_868 = vector.multi_reduction <minimumf>, %select_n3A_866, %reduce_min3A_867 [0] : vector<1000x512xf32> to vector<512xf32>
    %broadcast_in_dim3A_869 = vector.shape_cast %reduce_min3A_868 : vector<512xf32> to vector<1x512xf32>
    %eq3A_870 = vector.broadcast %broadcast_in_dim3A_869 : vector<1x512xf32> to vector<1000x512xf32>
    %eq3A_871 = arith.cmpf oeq, %select_n3A_866, %eq3A_870 : vector<1000x512xf32>
    %swap3A_872 = arith.constant 32 : index
    %swap3A_873 = arith.constant 0 : index
    %swap3A_874 = vector.load %arg2[%swap3A_872, %swap3A_873] : memref<50x512xf32, #tpu.memory_space<vmem>>, vector<1x512xf32>
    %swap3A_875 = vector.shape_cast %swap3A_874 : vector<1x512xf32> to vector<512xf32>
    %swap3A_876 = vector.shape_cast %reduce_max3A_860 : vector<512xf32> to vector<1x512xf32>
    tpu.vector_store %arg2[%swap3A_872, %swap3A_873], %swap3A_876 {strides = array<i32>} : memref<50x512xf32, #tpu.memory_space<vmem>>, vector<1x512xf32>,
    %convert_element_type3A_877 = arith.fptosi %reduce_min3A_868 : vector<512xf32> to vector<512xi32>
    %swap3A_878 = arith.constant 32 : index
    %swap3A_879 = arith.constant 0 : index
    %swap3A_880 = vector.load %arg3[%swap3A_878, %swap3A_879] : memref<50x512xi32, #tpu.memory_space<vmem>>, vector<1x512xi32>
    %swap3A_881 = vector.shape_cast %swap3A_880 : vector<1x512xi32> to vector<512xi32>
    %swap3A_882 = vector.shape_cast %convert_element_type3A_877 : vector<512xi32> to vector<1x512xi32>
    tpu.vector_store %arg3[%swap3A_878, %swap3A_879], %swap3A_882 {strides = array<i32>} : memref<50x512xi32, #tpu.memory_space<vmem>>, vector<1x512xi32>,
    %jit3A_883 = arith.constant 0xFF800000 : f32
    %broadcast_in_dim3A_884 = vector.broadcast %jit3A_883 : f32 to vector<1000x512xf32>
    %select_n3A_885 = arith.select %eq3A_871, %broadcast_in_dim3A_884, %select_n3A_858 : vector<1000x512xi1>, vector<1000x512xf32>
    %reduce_max3A_886 = arith.constant dense<0xFF800000> : vector<512xf32>
    %reduce_max3A_887 = vector.multi_reduction <maximumf>, %select_n3A_885, %reduce_max3A_886 [0] : vector<1000x512xf32> to vector<512xf32>
    %broadcast_in_dim3A_888 = vector.shape_cast %reduce_max3A_887 : vector<512xf32> to vector<1x512xf32>
    %eq3A_889 = vector.broadcast %broadcast_in_dim3A_888 : vector<1x512xf32> to vector<1000x512xf32>
    %eq3A_890 = arith.cmpf oeq, %select_n3A_885, %eq3A_889 : vector<1000x512xf32>
    %jit3A_891 = arith.constant 1.001000e+03 : f32
    %broadcast_in_dim3A_892 = vector.broadcast %jit3A_891 : f32 to vector<1000x512xf32>
    %select_n3A_893 = arith.select %eq3A_890, %convert_element_type3A, %broadcast_in_dim3A_892 : vector<1000x512xi1>, vector<1000x512xf32>
    %reduce_min3A_894 = arith.constant dense<0x7F800000> : vector<512xf32>
    %reduce_min3A_895 = vector.multi_reduction <minimumf>, %select_n3A_893, %reduce_min3A_894 [0] : vector<1000x512xf32> to vector<512xf32>
    %broadcast_in_dim3A_896 = vector.shape_cast %reduce_min3A_895 : vector<512xf32> to vector<1x512xf32>
    %eq3A_897 = vector.broadcast %broadcast_in_dim3A_896 : vector<1x512xf32> to vector<1000x512xf32>
    %eq3A_898 = arith.cmpf oeq, %select_n3A_893, %eq3A_897 : vector<1000x512xf32>
    %swap3A_899 = arith.constant 33 : index
    %swap3A_900 = arith.constant 0 : index
    %swap3A_901 = vector.load %arg2[%swap3A_899, %swap3A_900] : memref<50x512xf32, #tpu.memory_space<vmem>>, vector<1x512xf32>
    %swap3A_902 = vector.shape_cast %swap3A_901 : vector<1x512xf32> to vector<512xf32>
    %swap3A_903 = vector.shape_cast %reduce_max3A_887 : vector<512xf32> to vector<1x512xf32>
    tpu.vector_store %arg2[%swap3A_899, %swap3A_900], %swap3A_903 {strides = array<i32>} : memref<50x512xf32, #tpu.memory_space<vmem>>, vector<1x512xf32>,
    %convert_element_type3A_904 = arith.fptosi %reduce_min3A_895 : vector<512xf32> to vector<512xi32>
    %swap3A_905 = arith.constant 33 : index
    %swap3A_906 = arith.constant 0 : index
    %swap3A_907 = vector.load %arg3[%swap3A_905, %swap3A_906] : memref<50x512xi32, #tpu.memory_space<vmem>>, vector<1x512xi32>
    %swap3A_908 = vector.shape_cast %swap3A_907 : vector<1x512xi32> to vector<512xi32>
    %swap3A_909 = vector.shape_cast %convert_element_type3A_904 : vector<512xi32> to vector<1x512xi32>
    tpu.vector_store %arg3[%swap3A_905, %swap3A_906], %swap3A_909 {strides = array<i32>} : memref<50x512xi32, #tpu.memory_space<vmem>>, vector<1x512xi32>,
    %jit3A_910 = arith.constant 0xFF800000 : f32
    %broadcast_in_dim3A_911 = vector.broadcast %jit3A_910 : f32 to vector<1000x512xf32>
    %select_n3A_912 = arith.select %eq3A_898, %broadcast_in_dim3A_911, %select_n3A_885 : vector<1000x512xi1>, vector<1000x512xf32>
    %reduce_max3A_913 = arith.constant dense<0xFF800000> : vector<512xf32>
    %reduce_max3A_914 = vector.multi_reduction <maximumf>, %select_n3A_912, %reduce_max3A_913 [0] : vector<1000x512xf32> to vector<512xf32>
    %broadcast_in_dim3A_915 = vector.shape_cast %reduce_max3A_914 : vector<512xf32> to vector<1x512xf32>
    %eq3A_916 = vector.broadcast %broadcast_in_dim3A_915 : vector<1x512xf32> to vector<1000x512xf32>
    %eq3A_917 = arith.cmpf oeq, %select_n3A_912, %eq3A_916 : vector<1000x512xf32>
    %jit3A_918 = arith.constant 1.001000e+03 : f32
    %broadcast_in_dim3A_919 = vector.broadcast %jit3A_918 : f32 to vector<1000x512xf32>
    %select_n3A_920 = arith.select %eq3A_917, %convert_element_type3A, %broadcast_in_dim3A_919 : vector<1000x512xi1>, vector<1000x512xf32>
    %reduce_min3A_921 = arith.constant dense<0x7F800000> : vector<512xf32>
    %reduce_min3A_922 = vector.multi_reduction <minimumf>, %select_n3A_920, %reduce_min3A_921 [0] : vector<1000x512xf32> to vector<512xf32>
    %broadcast_in_dim3A_923 = vector.shape_cast %reduce_min3A_922 : vector<512xf32> to vector<1x512xf32>
    %eq3A_924 = vector.broadcast %broadcast_in_dim3A_923 : vector<1x512xf32> to vector<1000x512xf32>
    %eq3A_925 = arith.cmpf oeq, %select_n3A_920, %eq3A_924 : vector<1000x512xf32>
    %swap3A_926 = arith.constant 34 : index
    %swap3A_927 = arith.constant 0 : index
    %swap3A_928 = vector.load %arg2[%swap3A_926, %swap3A_927] : memref<50x512xf32, #tpu.memory_space<vmem>>, vector<1x512xf32>
    %swap3A_929 = vector.shape_cast %swap3A_928 : vector<1x512xf32> to vector<512xf32>
    %swap3A_930 = vector.shape_cast %reduce_max3A_914 : vector<512xf32> to vector<1x512xf32>
    tpu.vector_store %arg2[%swap3A_926, %swap3A_927], %swap3A_930 {strides = array<i32>} : memref<50x512xf32, #tpu.memory_space<vmem>>, vector<1x512xf32>,
    %convert_element_type3A_931 = arith.fptosi %reduce_min3A_922 : vector<512xf32> to vector<512xi32>
    %swap3A_932 = arith.constant 34 : index
    %swap3A_933 = arith.constant 0 : index
    %swap3A_934 = vector.load %arg3[%swap3A_932, %swap3A_933] : memref<50x512xi32, #tpu.memory_space<vmem>>, vector<1x512xi32>
    %swap3A_935 = vector.shape_cast %swap3A_934 : vector<1x512xi32> to vector<512xi32>
    %swap3A_936 = vector.shape_cast %convert_element_type3A_931 : vector<512xi32> to vector<1x512xi32>
    tpu.vector_store %arg3[%swap3A_932, %swap3A_933], %swap3A_936 {strides = array<i32>} : memref<50x512xi32, #tpu.memory_space<vmem>>, vector<1x512xi32>,
    %jit3A_937 = arith.constant 0xFF800000 : f32
    %broadcast_in_dim3A_938 = vector.broadcast %jit3A_937 : f32 to vector<1000x512xf32>
    %select_n3A_939 = arith.select %eq3A_925, %broadcast_in_dim3A_938, %select_n3A_912 : vector<1000x512xi1>, vector<1000x512xf32>
    %reduce_max3A_940 = arith.constant dense<0xFF800000> : vector<512xf32>
    %reduce_max3A_941 = vector.multi_reduction <maximumf>, %select_n3A_939, %reduce_max3A_940 [0] : vector<1000x512xf32> to vector<512xf32>
    %broadcast_in_dim3A_942 = vector.shape_cast %reduce_max3A_941 : vector<512xf32> to vector<1x512xf32>
    %eq3A_943 = vector.broadcast %broadcast_in_dim3A_942 : vector<1x512xf32> to vector<1000x512xf32>
    %eq3A_944 = arith.cmpf oeq, %select_n3A_939, %eq3A_943 : vector<1000x512xf32>
    %jit3A_945 = arith.constant 1.001000e+03 : f32
    %broadcast_in_dim3A_946 = vector.broadcast %jit3A_945 : f32 to vector<1000x512xf32>
    %select_n3A_947 = arith.select %eq3A_944, %convert_element_type3A, %broadcast_in_dim3A_946 : vector<1000x512xi1>, vector<1000x512xf32>
    %reduce_min3A_948 = arith.constant dense<0x7F800000> : vector<512xf32>
    %reduce_min3A_949 = vector.multi_reduction <minimumf>, %select_n3A_947, %reduce_min3A_948 [0] : vector<1000x512xf32> to vector<512xf32>
    %broadcast_in_dim3A_950 = vector.shape_cast %reduce_min3A_949 : vector<512xf32> to vector<1x512xf32>
    %eq3A_951 = vector.broadcast %broadcast_in_dim3A_950 : vector<1x512xf32> to vector<1000x512xf32>
    %eq3A_952 = arith.cmpf oeq, %select_n3A_947, %eq3A_951 : vector<1000x512xf32>
    %swap3A_953 = arith.constant 35 : index
    %swap3A_954 = arith.constant 0 : index
    %swap3A_955 = vector.load %arg2[%swap3A_953, %swap3A_954] : memref<50x512xf32, #tpu.memory_space<vmem>>, vector<1x512xf32>
    %swap3A_956 = vector.shape_cast %swap3A_955 : vector<1x512xf32> to vector<512xf32>
    %swap3A_957 = vector.shape_cast %reduce_max3A_941 : vector<512xf32> to vector<1x512xf32>
    tpu.vector_store %arg2[%swap3A_953, %swap3A_954], %swap3A_957 {strides = array<i32>} : memref<50x512xf32, #tpu.memory_space<vmem>>, vector<1x512xf32>,
    %convert_element_type3A_958 = arith.fptosi %reduce_min3A_949 : vector<512xf32> to vector<512xi32>
    %swap3A_959 = arith.constant 35 : index
    %swap3A_960 = arith.constant 0 : index
    %swap3A_961 = vector.load %arg3[%swap3A_959, %swap3A_960] : memref<50x512xi32, #tpu.memory_space<vmem>>, vector<1x512xi32>
    %swap3A_962 = vector.shape_cast %swap3A_961 : vector<1x512xi32> to vector<512xi32>
    %swap3A_963 = vector.shape_cast %convert_element_type3A_958 : vector<512xi32> to vector<1x512xi32>
    tpu.vector_store %arg3[%swap3A_959, %swap3A_960], %swap3A_963 {strides = array<i32>} : memref<50x512xi32, #tpu.memory_space<vmem>>, vector<1x512xi32>,
    %jit3A_964 = arith.constant 0xFF800000 : f32
    %broadcast_in_dim3A_965 = vector.broadcast %jit3A_964 : f32 to vector<1000x512xf32>
    %select_n3A_966 = arith.select %eq3A_952, %broadcast_in_dim3A_965, %select_n3A_939 : vector<1000x512xi1>, vector<1000x512xf32>
    %reduce_max3A_967 = arith.constant dense<0xFF800000> : vector<512xf32>
    %reduce_max3A_968 = vector.multi_reduction <maximumf>, %select_n3A_966, %reduce_max3A_967 [0] : vector<1000x512xf32> to vector<512xf32>
    %broadcast_in_dim3A_969 = vector.shape_cast %reduce_max3A_968 : vector<512xf32> to vector<1x512xf32>
    %eq3A_970 = vector.broadcast %broadcast_in_dim3A_969 : vector<1x512xf32> to vector<1000x512xf32>
    %eq3A_971 = arith.cmpf oeq, %select_n3A_966, %eq3A_970 : vector<1000x512xf32>
    %jit3A_972 = arith.constant 1.001000e+03 : f32
    %broadcast_in_dim3A_973 = vector.broadcast %jit3A_972 : f32 to vector<1000x512xf32>
    %select_n3A_974 = arith.select %eq3A_971, %convert_element_type3A, %broadcast_in_dim3A_973 : vector<1000x512xi1>, vector<1000x512xf32>
    %reduce_min3A_975 = arith.constant dense<0x7F800000> : vector<512xf32>
    %reduce_min3A_976 = vector.multi_reduction <minimumf>, %select_n3A_974, %reduce_min3A_975 [0] : vector<1000x512xf32> to vector<512xf32>
    %broadcast_in_dim3A_977 = vector.shape_cast %reduce_min3A_976 : vector<512xf32> to vector<1x512xf32>
    %eq3A_978 = vector.broadcast %broadcast_in_dim3A_977 : vector<1x512xf32> to vector<1000x512xf32>
    %eq3A_979 = arith.cmpf oeq, %select_n3A_974, %eq3A_978 : vector<1000x512xf32>
    %swap3A_980 = arith.constant 36 : index
    %swap3A_981 = arith.constant 0 : index
    %swap3A_982 = vector.load %arg2[%swap3A_980, %swap3A_981] : memref<50x512xf32, #tpu.memory_space<vmem>>, vector<1x512xf32>
    %swap3A_983 = vector.shape_cast %swap3A_982 : vector<1x512xf32> to vector<512xf32>
    %swap3A_984 = vector.shape_cast %reduce_max3A_968 : vector<512xf32> to vector<1x512xf32>
    tpu.vector_store %arg2[%swap3A_980, %swap3A_981], %swap3A_984 {strides = array<i32>} : memref<50x512xf32, #tpu.memory_space<vmem>>, vector<1x512xf32>,
    %convert_element_type3A_985 = arith.fptosi %reduce_min3A_976 : vector<512xf32> to vector<512xi32>
    %swap3A_986 = arith.constant 36 : index
    %swap3A_987 = arith.constant 0 : index
    %swap3A_988 = vector.load %arg3[%swap3A_986, %swap3A_987] : memref<50x512xi32, #tpu.memory_space<vmem>>, vector<1x512xi32>
    %swap3A_989 = vector.shape_cast %swap3A_988 : vector<1x512xi32> to vector<512xi32>
    %swap3A_990 = vector.shape_cast %convert_element_type3A_985 : vector<512xi32> to vector<1x512xi32>
    tpu.vector_store %arg3[%swap3A_986, %swap3A_987], %swap3A_990 {strides = array<i32>} : memref<50x512xi32, #tpu.memory_space<vmem>>, vector<1x512xi32>,
    %jit3A_991 = arith.constant 0xFF800000 : f32
    %broadcast_in_dim3A_992 = vector.broadcast %jit3A_991 : f32 to vector<1000x512xf32>
    %select_n3A_993 = arith.select %eq3A_979, %broadcast_in_dim3A_992, %select_n3A_966 : vector<1000x512xi1>, vector<1000x512xf32>
    %reduce_max3A_994 = arith.constant dense<0xFF800000> : vector<512xf32>
    %reduce_max3A_995 = vector.multi_reduction <maximumf>, %select_n3A_993, %reduce_max3A_994 [0] : vector<1000x512xf32> to vector<512xf32>
    %broadcast_in_dim3A_996 = vector.shape_cast %reduce_max3A_995 : vector<512xf32> to vector<1x512xf32>
    %eq3A_997 = vector.broadcast %broadcast_in_dim3A_996 : vector<1x512xf32> to vector<1000x512xf32>
    %eq3A_998 = arith.cmpf oeq, %select_n3A_993, %eq3A_997 : vector<1000x512xf32>
    %jit3A_999 = arith.constant 1.001000e+03 : f32
    %broadcast_in_dim3A_1000 = vector.broadcast %jit3A_999 : f32 to vector<1000x512xf32>
    %select_n3A_1001 = arith.select %eq3A_998, %convert_element_type3A, %broadcast_in_dim3A_1000 : vector<1000x512xi1>, vector<1000x512xf32>
    %reduce_min3A_1002 = arith.constant dense<0x7F800000> : vector<512xf32>
    %reduce_min3A_1003 = vector.multi_reduction <minimumf>, %select_n3A_1001, %reduce_min3A_1002 [0] : vector<1000x512xf32> to vector<512xf32>
    %broadcast_in_dim3A_1004 = vector.shape_cast %reduce_min3A_1003 : vector<512xf32> to vector<1x512xf32>
    %eq3A_1005 = vector.broadcast %broadcast_in_dim3A_1004 : vector<1x512xf32> to vector<1000x512xf32>
    %eq3A_1006 = arith.cmpf oeq, %select_n3A_1001, %eq3A_1005 : vector<1000x512xf32>
    %swap3A_1007 = arith.constant 37 : index
    %swap3A_1008 = arith.constant 0 : index
    %swap3A_1009 = vector.load %arg2[%swap3A_1007, %swap3A_1008] : memref<50x512xf32, #tpu.memory_space<vmem>>, vector<1x512xf32>
    %swap3A_1010 = vector.shape_cast %swap3A_1009 : vector<1x512xf32> to vector<512xf32>
    %swap3A_1011 = vector.shape_cast %reduce_max3A_995 : vector<512xf32> to vector<1x512xf32>
    tpu.vector_store %arg2[%swap3A_1007, %swap3A_1008], %swap3A_1011 {strides = array<i32>} : memref<50x512xf32, #tpu.memory_space<vmem>>, vector<1x512xf32>,
    %convert_element_type3A_1012 = arith.fptosi %reduce_min3A_1003 : vector<512xf32> to vector<512xi32>
    %swap3A_1013 = arith.constant 37 : index
    %swap3A_1014 = arith.constant 0 : index
    %swap3A_1015 = vector.load %arg3[%swap3A_1013, %swap3A_1014] : memref<50x512xi32, #tpu.memory_space<vmem>>, vector<1x512xi32>
    %swap3A_1016 = vector.shape_cast %swap3A_1015 : vector<1x512xi32> to vector<512xi32>
    %swap3A_1017 = vector.shape_cast %convert_element_type3A_1012 : vector<512xi32> to vector<1x512xi32>
    tpu.vector_store %arg3[%swap3A_1013, %swap3A_1014], %swap3A_1017 {strides = array<i32>} : memref<50x512xi32, #tpu.memory_space<vmem>>, vector<1x512xi32>,
    %jit3A_1018 = arith.constant 0xFF800000 : f32
    %broadcast_in_dim3A_1019 = vector.broadcast %jit3A_1018 : f32 to vector<1000x512xf32>
    %select_n3A_1020 = arith.select %eq3A_1006, %broadcast_in_dim3A_1019, %select_n3A_993 : vector<1000x512xi1>, vector<1000x512xf32>
    %reduce_max3A_1021 = arith.constant dense<0xFF800000> : vector<512xf32>
    %reduce_max3A_1022 = vector.multi_reduction <maximumf>, %select_n3A_1020, %reduce_max3A_1021 [0] : vector<1000x512xf32> to vector<512xf32>
    %broadcast_in_dim3A_1023 = vector.shape_cast %reduce_max3A_1022 : vector<512xf32> to vector<1x512xf32>
    %eq3A_1024 = vector.broadcast %broadcast_in_dim3A_1023 : vector<1x512xf32> to vector<1000x512xf32>
    %eq3A_1025 = arith.cmpf oeq, %select_n3A_1020, %eq3A_1024 : vector<1000x512xf32>
    %jit3A_1026 = arith.constant 1.001000e+03 : f32
    %broadcast_in_dim3A_1027 = vector.broadcast %jit3A_1026 : f32 to vector<1000x512xf32>
    %select_n3A_1028 = arith.select %eq3A_1025, %convert_element_type3A, %broadcast_in_dim3A_1027 : vector<1000x512xi1>, vector<1000x512xf32>
    %reduce_min3A_1029 = arith.constant dense<0x7F800000> : vector<512xf32>
    %reduce_min3A_1030 = vector.multi_reduction <minimumf>, %select_n3A_1028, %reduce_min3A_1029 [0] : vector<1000x512xf32> to vector<512xf32>
    %broadcast_in_dim3A_1031 = vector.shape_cast %reduce_min3A_1030 : vector<512xf32> to vector<1x512xf32>
    %eq3A_1032 = vector.broadcast %broadcast_in_dim3A_1031 : vector<1x512xf32> to vector<1000x512xf32>
    %eq3A_1033 = arith.cmpf oeq, %select_n3A_1028, %eq3A_1032 : vector<1000x512xf32>
    %swap3A_1034 = arith.constant 38 : index
    %swap3A_1035 = arith.constant 0 : index
    %swap3A_1036 = vector.load %arg2[%swap3A_1034, %swap3A_1035] : memref<50x512xf32, #tpu.memory_space<vmem>>, vector<1x512xf32>
    %swap3A_1037 = vector.shape_cast %swap3A_1036 : vector<1x512xf32> to vector<512xf32>
    %swap3A_1038 = vector.shape_cast %reduce_max3A_1022 : vector<512xf32> to vector<1x512xf32>
    tpu.vector_store %arg2[%swap3A_1034, %swap3A_1035], %swap3A_1038 {strides = array<i32>} : memref<50x512xf32, #tpu.memory_space<vmem>>, vector<1x512xf32>,
    %convert_element_type3A_1039 = arith.fptosi %reduce_min3A_1030 : vector<512xf32> to vector<512xi32>
    %swap3A_1040 = arith.constant 38 : index
    %swap3A_1041 = arith.constant 0 : index
    %swap3A_1042 = vector.load %arg3[%swap3A_1040, %swap3A_1041] : memref<50x512xi32, #tpu.memory_space<vmem>>, vector<1x512xi32>
    %swap3A_1043 = vector.shape_cast %swap3A_1042 : vector<1x512xi32> to vector<512xi32>
    %swap3A_1044 = vector.shape_cast %convert_element_type3A_1039 : vector<512xi32> to vector<1x512xi32>
    tpu.vector_store %arg3[%swap3A_1040, %swap3A_1041], %swap3A_1044 {strides = array<i32>} : memref<50x512xi32, #tpu.memory_space<vmem>>, vector<1x512xi32>,
    %jit3A_1045 = arith.constant 0xFF800000 : f32
    %broadcast_in_dim3A_1046 = vector.broadcast %jit3A_1045 : f32 to vector<1000x512xf32>
    %select_n3A_1047 = arith.select %eq3A_1033, %broadcast_in_dim3A_1046, %select_n3A_1020 : vector<1000x512xi1>, vector<1000x512xf32>
    %reduce_max3A_1048 = arith.constant dense<0xFF800000> : vector<512xf32>
    %reduce_max3A_1049 = vector.multi_reduction <maximumf>, %select_n3A_1047, %reduce_max3A_1048 [0] : vector<1000x512xf32> to vector<512xf32>
    %broadcast_in_dim3A_1050 = vector.shape_cast %reduce_max3A_1049 : vector<512xf32> to vector<1x512xf32>
    %eq3A_1051 = vector.broadcast %broadcast_in_dim3A_1050 : vector<1x512xf32> to vector<1000x512xf32>
    %eq3A_1052 = arith.cmpf oeq, %select_n3A_1047, %eq3A_1051 : vector<1000x512xf32>
    %jit3A_1053 = arith.constant 1.001000e+03 : f32
    %broadcast_in_dim3A_1054 = vector.broadcast %jit3A_1053 : f32 to vector<1000x512xf32>
    %select_n3A_1055 = arith.select %eq3A_1052, %convert_element_type3A, %broadcast_in_dim3A_1054 : vector<1000x512xi1>, vector<1000x512xf32>
    %reduce_min3A_1056 = arith.constant dense<0x7F800000> : vector<512xf32>
    %reduce_min3A_1057 = vector.multi_reduction <minimumf>, %select_n3A_1055, %reduce_min3A_1056 [0] : vector<1000x512xf32> to vector<512xf32>
    %broadcast_in_dim3A_1058 = vector.shape_cast %reduce_min3A_1057 : vector<512xf32> to vector<1x512xf32>
    %eq3A_1059 = vector.broadcast %broadcast_in_dim3A_1058 : vector<1x512xf32> to vector<1000x512xf32>
    %eq3A_1060 = arith.cmpf oeq, %select_n3A_1055, %eq3A_1059 : vector<1000x512xf32>
    %swap3A_1061 = arith.constant 39 : index
    %swap3A_1062 = arith.constant 0 : index
    %swap3A_1063 = vector.load %arg2[%swap3A_1061, %swap3A_1062] : memref<50x512xf32, #tpu.memory_space<vmem>>, vector<1x512xf32>
    %swap3A_1064 = vector.shape_cast %swap3A_1063 : vector<1x512xf32> to vector<512xf32>
    %swap3A_1065 = vector.shape_cast %reduce_max3A_1049 : vector<512xf32> to vector<1x512xf32>
    tpu.vector_store %arg2[%swap3A_1061, %swap3A_1062], %swap3A_1065 {strides = array<i32>} : memref<50x512xf32, #tpu.memory_space<vmem>>, vector<1x512xf32>,
    %convert_element_type3A_1066 = arith.fptosi %reduce_min3A_1057 : vector<512xf32> to vector<512xi32>
    %swap3A_1067 = arith.constant 39 : index
    %swap3A_1068 = arith.constant 0 : index
    %swap3A_1069 = vector.load %arg3[%swap3A_1067, %swap3A_1068] : memref<50x512xi32, #tpu.memory_space<vmem>>, vector<1x512xi32>
    %swap3A_1070 = vector.shape_cast %swap3A_1069 : vector<1x512xi32> to vector<512xi32>
    %swap3A_1071 = vector.shape_cast %convert_element_type3A_1066 : vector<512xi32> to vector<1x512xi32>
    tpu.vector_store %arg3[%swap3A_1067, %swap3A_1068], %swap3A_1071 {strides = array<i32>} : memref<50x512xi32, #tpu.memory_space<vmem>>, vector<1x512xi32>,
    %jit3A_1072 = arith.constant 0xFF800000 : f32
    %broadcast_in_dim3A_1073 = vector.broadcast %jit3A_1072 : f32 to vector<1000x512xf32>
    %select_n3A_1074 = arith.select %eq3A_1060, %broadcast_in_dim3A_1073, %select_n3A_1047 : vector<1000x512xi1>, vector<1000x512xf32>
    %reduce_max3A_1075 = arith.constant dense<0xFF800000> : vector<512xf32>
    %reduce_max3A_1076 = vector.multi_reduction <maximumf>, %select_n3A_1074, %reduce_max3A_1075 [0] : vector<1000x512xf32> to vector<512xf32>
    %broadcast_in_dim3A_1077 = vector.shape_cast %reduce_max3A_1076 : vector<512xf32> to vector<1x512xf32>
    %eq3A_1078 = vector.broadcast %broadcast_in_dim3A_1077 : vector<1x512xf32> to vector<1000x512xf32>
    %eq3A_1079 = arith.cmpf oeq, %select_n3A_1074, %eq3A_1078 : vector<1000x512xf32>
    %jit3A_1080 = arith.constant 1.001000e+03 : f32
    %broadcast_in_dim3A_1081 = vector.broadcast %jit3A_1080 : f32 to vector<1000x512xf32>
    %select_n3A_1082 = arith.select %eq3A_1079, %convert_element_type3A, %broadcast_in_dim3A_1081 : vector<1000x512xi1>, vector<1000x512xf32>
    %reduce_min3A_1083 = arith.constant dense<0x7F800000> : vector<512xf32>
    %reduce_min3A_1084 = vector.multi_reduction <minimumf>, %select_n3A_1082, %reduce_min3A_1083 [0] : vector<1000x512xf32> to vector<512xf32>
    %broadcast_in_dim3A_1085 = vector.shape_cast %reduce_min3A_1084 : vector<512xf32> to vector<1x512xf32>
    %eq3A_1086 = vector.broadcast %broadcast_in_dim3A_1085 : vector<1x512xf32> to vector<1000x512xf32>
    %eq3A_1087 = arith.cmpf oeq, %select_n3A_1082, %eq3A_1086 : vector<1000x512xf32>
    %swap3A_1088 = arith.constant 40 : index
    %swap3A_1089 = arith.constant 0 : index
    %swap3A_1090 = vector.load %arg2[%swap3A_1088, %swap3A_1089] : memref<50x512xf32, #tpu.memory_space<vmem>>, vector<1x512xf32>
    %swap3A_1091 = vector.shape_cast %swap3A_1090 : vector<1x512xf32> to vector<512xf32>
    %swap3A_1092 = vector.shape_cast %reduce_max3A_1076 : vector<512xf32> to vector<1x512xf32>
    tpu.vector_store %arg2[%swap3A_1088, %swap3A_1089], %swap3A_1092 {strides = array<i32>} : memref<50x512xf32, #tpu.memory_space<vmem>>, vector<1x512xf32>,
    %convert_element_type3A_1093 = arith.fptosi %reduce_min3A_1084 : vector<512xf32> to vector<512xi32>
    %swap3A_1094 = arith.constant 40 : index
    %swap3A_1095 = arith.constant 0 : index
    %swap3A_1096 = vector.load %arg3[%swap3A_1094, %swap3A_1095] : memref<50x512xi32, #tpu.memory_space<vmem>>, vector<1x512xi32>
    %swap3A_1097 = vector.shape_cast %swap3A_1096 : vector<1x512xi32> to vector<512xi32>
    %swap3A_1098 = vector.shape_cast %convert_element_type3A_1093 : vector<512xi32> to vector<1x512xi32>
    tpu.vector_store %arg3[%swap3A_1094, %swap3A_1095], %swap3A_1098 {strides = array<i32>} : memref<50x512xi32, #tpu.memory_space<vmem>>, vector<1x512xi32>,
    %jit3A_1099 = arith.constant 0xFF800000 : f32
    %broadcast_in_dim3A_1100 = vector.broadcast %jit3A_1099 : f32 to vector<1000x512xf32>
    %select_n3A_1101 = arith.select %eq3A_1087, %broadcast_in_dim3A_1100, %select_n3A_1074 : vector<1000x512xi1>, vector<1000x512xf32>
    %reduce_max3A_1102 = arith.constant dense<0xFF800000> : vector<512xf32>
    %reduce_max3A_1103 = vector.multi_reduction <maximumf>, %select_n3A_1101, %reduce_max3A_1102 [0] : vector<1000x512xf32> to vector<512xf32>
    %broadcast_in_dim3A_1104 = vector.shape_cast %reduce_max3A_1103 : vector<512xf32> to vector<1x512xf32>
    %eq3A_1105 = vector.broadcast %broadcast_in_dim3A_1104 : vector<1x512xf32> to vector<1000x512xf32>
    %eq3A_1106 = arith.cmpf oeq, %select_n3A_1101, %eq3A_1105 : vector<1000x512xf32>
    %jit3A_1107 = arith.constant 1.001000e+03 : f32
    %broadcast_in_dim3A_1108 = vector.broadcast %jit3A_1107 : f32 to vector<1000x512xf32>
    %select_n3A_1109 = arith.select %eq3A_1106, %convert_element_type3A, %broadcast_in_dim3A_1108 : vector<1000x512xi1>, vector<1000x512xf32>
    %reduce_min3A_1110 = arith.constant dense<0x7F800000> : vector<512xf32>
    %reduce_min3A_1111 = vector.multi_reduction <minimumf>, %select_n3A_1109, %reduce_min3A_1110 [0] : vector<1000x512xf32> to vector<512xf32>
    %broadcast_in_dim3A_1112 = vector.shape_cast %reduce_min3A_1111 : vector<512xf32> to vector<1x512xf32>
    %eq3A_1113 = vector.broadcast %broadcast_in_dim3A_1112 : vector<1x512xf32> to vector<1000x512xf32>
    %eq3A_1114 = arith.cmpf oeq, %select_n3A_1109, %eq3A_1113 : vector<1000x512xf32>
    %swap3A_1115 = arith.constant 41 : index
    %swap3A_1116 = arith.constant 0 : index
    %swap3A_1117 = vector.load %arg2[%swap3A_1115, %swap3A_1116] : memref<50x512xf32, #tpu.memory_space<vmem>>, vector<1x512xf32>
    %swap3A_1118 = vector.shape_cast %swap3A_1117 : vector<1x512xf32> to vector<512xf32>
    %swap3A_1119 = vector.shape_cast %reduce_max3A_1103 : vector<512xf32> to vector<1x512xf32>
    tpu.vector_store %arg2[%swap3A_1115, %swap3A_1116], %swap3A_1119 {strides = array<i32>} : memref<50x512xf32, #tpu.memory_space<vmem>>, vector<1x512xf32>,
    %convert_element_type3A_1120 = arith.fptosi %reduce_min3A_1111 : vector<512xf32> to vector<512xi32>
    %swap3A_1121 = arith.constant 41 : index
    %swap3A_1122 = arith.constant 0 : index
    %swap3A_1123 = vector.load %arg3[%swap3A_1121, %swap3A_1122] : memref<50x512xi32, #tpu.memory_space<vmem>>, vector<1x512xi32>
    %swap3A_1124 = vector.shape_cast %swap3A_1123 : vector<1x512xi32> to vector<512xi32>
    %swap3A_1125 = vector.shape_cast %convert_element_type3A_1120 : vector<512xi32> to vector<1x512xi32>
    tpu.vector_store %arg3[%swap3A_1121, %swap3A_1122], %swap3A_1125 {strides = array<i32>} : memref<50x512xi32, #tpu.memory_space<vmem>>, vector<1x512xi32>,
    %jit3A_1126 = arith.constant 0xFF800000 : f32
    %broadcast_in_dim3A_1127 = vector.broadcast %jit3A_1126 : f32 to vector<1000x512xf32>
    %select_n3A_1128 = arith.select %eq3A_1114, %broadcast_in_dim3A_1127, %select_n3A_1101 : vector<1000x512xi1>, vector<1000x512xf32>
    %reduce_max3A_1129 = arith.constant dense<0xFF800000> : vector<512xf32>
    %reduce_max3A_1130 = vector.multi_reduction <maximumf>, %select_n3A_1128, %reduce_max3A_1129 [0] : vector<1000x512xf32> to vector<512xf32>
    %broadcast_in_dim3A_1131 = vector.shape_cast %reduce_max3A_1130 : vector<512xf32> to vector<1x512xf32>
    %eq3A_1132 = vector.broadcast %broadcast_in_dim3A_1131 : vector<1x512xf32> to vector<1000x512xf32>
    %eq3A_1133 = arith.cmpf oeq, %select_n3A_1128, %eq3A_1132 : vector<1000x512xf32>
    %jit3A_1134 = arith.constant 1.001000e+03 : f32
    %broadcast_in_dim3A_1135 = vector.broadcast %jit3A_1134 : f32 to vector<1000x512xf32>
    %select_n3A_1136 = arith.select %eq3A_1133, %convert_element_type3A, %broadcast_in_dim3A_1135 : vector<1000x512xi1>, vector<1000x512xf32>
    %reduce_min3A_1137 = arith.constant dense<0x7F800000> : vector<512xf32>
    %reduce_min3A_1138 = vector.multi_reduction <minimumf>, %select_n3A_1136, %reduce_min3A_1137 [0] : vector<1000x512xf32> to vector<512xf32>
    %broadcast_in_dim3A_1139 = vector.shape_cast %reduce_min3A_1138 : vector<512xf32> to vector<1x512xf32>
    %eq3A_1140 = vector.broadcast %broadcast_in_dim3A_1139 : vector<1x512xf32> to vector<1000x512xf32>
    %eq3A_1141 = arith.cmpf oeq, %select_n3A_1136, %eq3A_1140 : vector<1000x512xf32>
    %swap3A_1142 = arith.constant 42 : index
    %swap3A_1143 = arith.constant 0 : index
    %swap3A_1144 = vector.load %arg2[%swap3A_1142, %swap3A_1143] : memref<50x512xf32, #tpu.memory_space<vmem>>, vector<1x512xf32>
    %swap3A_1145 = vector.shape_cast %swap3A_1144 : vector<1x512xf32> to vector<512xf32>
    %swap3A_1146 = vector.shape_cast %reduce_max3A_1130 : vector<512xf32> to vector<1x512xf32>
    tpu.vector_store %arg2[%swap3A_1142, %swap3A_1143], %swap3A_1146 {strides = array<i32>} : memref<50x512xf32, #tpu.memory_space<vmem>>, vector<1x512xf32>,
    %convert_element_type3A_1147 = arith.fptosi %reduce_min3A_1138 : vector<512xf32> to vector<512xi32>
    %swap3A_1148 = arith.constant 42 : index
    %swap3A_1149 = arith.constant 0 : index
    %swap3A_1150 = vector.load %arg3[%swap3A_1148, %swap3A_1149] : memref<50x512xi32, #tpu.memory_space<vmem>>, vector<1x512xi32>
    %swap3A_1151 = vector.shape_cast %swap3A_1150 : vector<1x512xi32> to vector<512xi32>
    %swap3A_1152 = vector.shape_cast %convert_element_type3A_1147 : vector<512xi32> to vector<1x512xi32>
    tpu.vector_store %arg3[%swap3A_1148, %swap3A_1149], %swap3A_1152 {strides = array<i32>} : memref<50x512xi32, #tpu.memory_space<vmem>>, vector<1x512xi32>,
    %jit3A_1153 = arith.constant 0xFF800000 : f32
    %broadcast_in_dim3A_1154 = vector.broadcast %jit3A_1153 : f32 to vector<1000x512xf32>
    %select_n3A_1155 = arith.select %eq3A_1141, %broadcast_in_dim3A_1154, %select_n3A_1128 : vector<1000x512xi1>, vector<1000x512xf32>
    %reduce_max3A_1156 = arith.constant dense<0xFF800000> : vector<512xf32>
    %reduce_max3A_1157 = vector.multi_reduction <maximumf>, %select_n3A_1155, %reduce_max3A_1156 [0] : vector<1000x512xf32> to vector<512xf32>
    %broadcast_in_dim3A_1158 = vector.shape_cast %reduce_max3A_1157 : vector<512xf32> to vector<1x512xf32>
    %eq3A_1159 = vector.broadcast %broadcast_in_dim3A_1158 : vector<1x512xf32> to vector<1000x512xf32>
    %eq3A_1160 = arith.cmpf oeq, %select_n3A_1155, %eq3A_1159 : vector<1000x512xf32>
    %jit3A_1161 = arith.constant 1.001000e+03 : f32
    %broadcast_in_dim3A_1162 = vector.broadcast %jit3A_1161 : f32 to vector<1000x512xf32>
    %select_n3A_1163 = arith.select %eq3A_1160, %convert_element_type3A, %broadcast_in_dim3A_1162 : vector<1000x512xi1>, vector<1000x512xf32>
    %reduce_min3A_1164 = arith.constant dense<0x7F800000> : vector<512xf32>
    %reduce_min3A_1165 = vector.multi_reduction <minimumf>, %select_n3A_1163, %reduce_min3A_1164 [0] : vector<1000x512xf32> to vector<512xf32>
    %broadcast_in_dim3A_1166 = vector.shape_cast %reduce_min3A_1165 : vector<512xf32> to vector<1x512xf32>
    %eq3A_1167 = vector.broadcast %broadcast_in_dim3A_1166 : vector<1x512xf32> to vector<1000x512xf32>
    %eq3A_1168 = arith.cmpf oeq, %select_n3A_1163, %eq3A_1167 : vector<1000x512xf32>
    %swap3A_1169 = arith.constant 43 : index
    %swap3A_1170 = arith.constant 0 : index
    %swap3A_1171 = vector.load %arg2[%swap3A_1169, %swap3A_1170] : memref<50x512xf32, #tpu.memory_space<vmem>>, vector<1x512xf32>
    %swap3A_1172 = vector.shape_cast %swap3A_1171 : vector<1x512xf32> to vector<512xf32>
    %swap3A_1173 = vector.shape_cast %reduce_max3A_1157 : vector<512xf32> to vector<1x512xf32>
    tpu.vector_store %arg2[%swap3A_1169, %swap3A_1170], %swap3A_1173 {strides = array<i32>} : memref<50x512xf32, #tpu.memory_space<vmem>>, vector<1x512xf32>,
    %convert_element_type3A_1174 = arith.fptosi %reduce_min3A_1165 : vector<512xf32> to vector<512xi32>
    %swap3A_1175 = arith.constant 43 : index
    %swap3A_1176 = arith.constant 0 : index
    %swap3A_1177 = vector.load %arg3[%swap3A_1175, %swap3A_1176] : memref<50x512xi32, #tpu.memory_space<vmem>>, vector<1x512xi32>
    %swap3A_1178 = vector.shape_cast %swap3A_1177 : vector<1x512xi32> to vector<512xi32>
    %swap3A_1179 = vector.shape_cast %convert_element_type3A_1174 : vector<512xi32> to vector<1x512xi32>
    tpu.vector_store %arg3[%swap3A_1175, %swap3A_1176], %swap3A_1179 {strides = array<i32>} : memref<50x512xi32, #tpu.memory_space<vmem>>, vector<1x512xi32>,
    %jit3A_1180 = arith.constant 0xFF800000 : f32
    %broadcast_in_dim3A_1181 = vector.broadcast %jit3A_1180 : f32 to vector<1000x512xf32>
    %select_n3A_1182 = arith.select %eq3A_1168, %broadcast_in_dim3A_1181, %select_n3A_1155 : vector<1000x512xi1>, vector<1000x512xf32>
    %reduce_max3A_1183 = arith.constant dense<0xFF800000> : vector<512xf32>
    %reduce_max3A_1184 = vector.multi_reduction <maximumf>, %select_n3A_1182, %reduce_max3A_1183 [0] : vector<1000x512xf32> to vector<512xf32>
    %broadcast_in_dim3A_1185 = vector.shape_cast %reduce_max3A_1184 : vector<512xf32> to vector<1x512xf32>
    %eq3A_1186 = vector.broadcast %broadcast_in_dim3A_1185 : vector<1x512xf32> to vector<1000x512xf32>
    %eq3A_1187 = arith.cmpf oeq, %select_n3A_1182, %eq3A_1186 : vector<1000x512xf32>
    %jit3A_1188 = arith.constant 1.001000e+03 : f32
    %broadcast_in_dim3A_1189 = vector.broadcast %jit3A_1188 : f32 to vector<1000x512xf32>
    %select_n3A_1190 = arith.select %eq3A_1187, %convert_element_type3A, %broadcast_in_dim3A_1189 : vector<1000x512xi1>, vector<1000x512xf32>
    %reduce_min3A_1191 = arith.constant dense<0x7F800000> : vector<512xf32>
    %reduce_min3A_1192 = vector.multi_reduction <minimumf>, %select_n3A_1190, %reduce_min3A_1191 [0] : vector<1000x512xf32> to vector<512xf32>
    %broadcast_in_dim3A_1193 = vector.shape_cast %reduce_min3A_1192 : vector<512xf32> to vector<1x512xf32>
    %eq3A_1194 = vector.broadcast %broadcast_in_dim3A_1193 : vector<1x512xf32> to vector<1000x512xf32>
    %eq3A_1195 = arith.cmpf oeq, %select_n3A_1190, %eq3A_1194 : vector<1000x512xf32>
    %swap3A_1196 = arith.constant 44 : index
    %swap3A_1197 = arith.constant 0 : index
    %swap3A_1198 = vector.load %arg2[%swap3A_1196, %swap3A_1197] : memref<50x512xf32, #tpu.memory_space<vmem>>, vector<1x512xf32>
    %swap3A_1199 = vector.shape_cast %swap3A_1198 : vector<1x512xf32> to vector<512xf32>
    %swap3A_1200 = vector.shape_cast %reduce_max3A_1184 : vector<512xf32> to vector<1x512xf32>
    tpu.vector_store %arg2[%swap3A_1196, %swap3A_1197], %swap3A_1200 {strides = array<i32>} : memref<50x512xf32, #tpu.memory_space<vmem>>, vector<1x512xf32>,
    %convert_element_type3A_1201 = arith.fptosi %reduce_min3A_1192 : vector<512xf32> to vector<512xi32>
    %swap3A_1202 = arith.constant 44 : index
    %swap3A_1203 = arith.constant 0 : index
    %swap3A_1204 = vector.load %arg3[%swap3A_1202, %swap3A_1203] : memref<50x512xi32, #tpu.memory_space<vmem>>, vector<1x512xi32>
    %swap3A_1205 = vector.shape_cast %swap3A_1204 : vector<1x512xi32> to vector<512xi32>
    %swap3A_1206 = vector.shape_cast %convert_element_type3A_1201 : vector<512xi32> to vector<1x512xi32>
    tpu.vector_store %arg3[%swap3A_1202, %swap3A_1203], %swap3A_1206 {strides = array<i32>} : memref<50x512xi32, #tpu.memory_space<vmem>>, vector<1x512xi32>,
    %jit3A_1207 = arith.constant 0xFF800000 : f32
    %broadcast_in_dim3A_1208 = vector.broadcast %jit3A_1207 : f32 to vector<1000x512xf32>
    %select_n3A_1209 = arith.select %eq3A_1195, %broadcast_in_dim3A_1208, %select_n3A_1182 : vector<1000x512xi1>, vector<1000x512xf32>
    %reduce_max3A_1210 = arith.constant dense<0xFF800000> : vector<512xf32>
    %reduce_max3A_1211 = vector.multi_reduction <maximumf>, %select_n3A_1209, %reduce_max3A_1210 [0] : vector<1000x512xf32> to vector<512xf32>
    %broadcast_in_dim3A_1212 = vector.shape_cast %reduce_max3A_1211 : vector<512xf32> to vector<1x512xf32>
    %eq3A_1213 = vector.broadcast %broadcast_in_dim3A_1212 : vector<1x512xf32> to vector<1000x512xf32>
    %eq3A_1214 = arith.cmpf oeq, %select_n3A_1209, %eq3A_1213 : vector<1000x512xf32>
    %jit3A_1215 = arith.constant 1.001000e+03 : f32
    %broadcast_in_dim3A_1216 = vector.broadcast %jit3A_1215 : f32 to vector<1000x512xf32>
    %select_n3A_1217 = arith.select %eq3A_1214, %convert_element_type3A, %broadcast_in_dim3A_1216 : vector<1000x512xi1>, vector<1000x512xf32>
    %reduce_min3A_1218 = arith.constant dense<0x7F800000> : vector<512xf32>
    %reduce_min3A_1219 = vector.multi_reduction <minimumf>, %select_n3A_1217, %reduce_min3A_1218 [0] : vector<1000x512xf32> to vector<512xf32>
    %broadcast_in_dim3A_1220 = vector.shape_cast %reduce_min3A_1219 : vector<512xf32> to vector<1x512xf32>
    %eq3A_1221 = vector.broadcast %broadcast_in_dim3A_1220 : vector<1x512xf32> to vector<1000x512xf32>
    %eq3A_1222 = arith.cmpf oeq, %select_n3A_1217, %eq3A_1221 : vector<1000x512xf32>
    %swap3A_1223 = arith.constant 45 : index
    %swap3A_1224 = arith.constant 0 : index
    %swap3A_1225 = vector.load %arg2[%swap3A_1223, %swap3A_1224] : memref<50x512xf32, #tpu.memory_space<vmem>>, vector<1x512xf32>
    %swap3A_1226 = vector.shape_cast %swap3A_1225 : vector<1x512xf32> to vector<512xf32>
    %swap3A_1227 = vector.shape_cast %reduce_max3A_1211 : vector<512xf32> to vector<1x512xf32>
    tpu.vector_store %arg2[%swap3A_1223, %swap3A_1224], %swap3A_1227 {strides = array<i32>} : memref<50x512xf32, #tpu.memory_space<vmem>>, vector<1x512xf32>,
    %convert_element_type3A_1228 = arith.fptosi %reduce_min3A_1219 : vector<512xf32> to vector<512xi32>
    %swap3A_1229 = arith.constant 45 : index
    %swap3A_1230 = arith.constant 0 : index
    %swap3A_1231 = vector.load %arg3[%swap3A_1229, %swap3A_1230] : memref<50x512xi32, #tpu.memory_space<vmem>>, vector<1x512xi32>
    %swap3A_1232 = vector.shape_cast %swap3A_1231 : vector<1x512xi32> to vector<512xi32>
    %swap3A_1233 = vector.shape_cast %convert_element_type3A_1228 : vector<512xi32> to vector<1x512xi32>
    tpu.vector_store %arg3[%swap3A_1229, %swap3A_1230], %swap3A_1233 {strides = array<i32>} : memref<50x512xi32, #tpu.memory_space<vmem>>, vector<1x512xi32>,
    %jit3A_1234 = arith.constant 0xFF800000 : f32
    %broadcast_in_dim3A_1235 = vector.broadcast %jit3A_1234 : f32 to vector<1000x512xf32>
    %select_n3A_1236 = arith.select %eq3A_1222, %broadcast_in_dim3A_1235, %select_n3A_1209 : vector<1000x512xi1>, vector<1000x512xf32>
    %reduce_max3A_1237 = arith.constant dense<0xFF800000> : vector<512xf32>
    %reduce_max3A_1238 = vector.multi_reduction <maximumf>, %select_n3A_1236, %reduce_max3A_1237 [0] : vector<1000x512xf32> to vector<512xf32>
    %broadcast_in_dim3A_1239 = vector.shape_cast %reduce_max3A_1238 : vector<512xf32> to vector<1x512xf32>
    %eq3A_1240 = vector.broadcast %broadcast_in_dim3A_1239 : vector<1x512xf32> to vector<1000x512xf32>
    %eq3A_1241 = arith.cmpf oeq, %select_n3A_1236, %eq3A_1240 : vector<1000x512xf32>
    %jit3A_1242 = arith.constant 1.001000e+03 : f32
    %broadcast_in_dim3A_1243 = vector.broadcast %jit3A_1242 : f32 to vector<1000x512xf32>
    %select_n3A_1244 = arith.select %eq3A_1241, %convert_element_type3A, %broadcast_in_dim3A_1243 : vector<1000x512xi1>, vector<1000x512xf32>
    %reduce_min3A_1245 = arith.constant dense<0x7F800000> : vector<512xf32>
    %reduce_min3A_1246 = vector.multi_reduction <minimumf>, %select_n3A_1244, %reduce_min3A_1245 [0] : vector<1000x512xf32> to vector<512xf32>
    %broadcast_in_dim3A_1247 = vector.shape_cast %reduce_min3A_1246 : vector<512xf32> to vector<1x512xf32>
    %eq3A_1248 = vector.broadcast %broadcast_in_dim3A_1247 : vector<1x512xf32> to vector<1000x512xf32>
    %eq3A_1249 = arith.cmpf oeq, %select_n3A_1244, %eq3A_1248 : vector<1000x512xf32>
    %swap3A_1250 = arith.constant 46 : index
    %swap3A_1251 = arith.constant 0 : index
    %swap3A_1252 = vector.load %arg2[%swap3A_1250, %swap3A_1251] : memref<50x512xf32, #tpu.memory_space<vmem>>, vector<1x512xf32>
    %swap3A_1253 = vector.shape_cast %swap3A_1252 : vector<1x512xf32> to vector<512xf32>
    %swap3A_1254 = vector.shape_cast %reduce_max3A_1238 : vector<512xf32> to vector<1x512xf32>
    tpu.vector_store %arg2[%swap3A_1250, %swap3A_1251], %swap3A_1254 {strides = array<i32>} : memref<50x512xf32, #tpu.memory_space<vmem>>, vector<1x512xf32>,
    %convert_element_type3A_1255 = arith.fptosi %reduce_min3A_1246 : vector<512xf32> to vector<512xi32>
    %swap3A_1256 = arith.constant 46 : index
    %swap3A_1257 = arith.constant 0 : index
    %swap3A_1258 = vector.load %arg3[%swap3A_1256, %swap3A_1257] : memref<50x512xi32, #tpu.memory_space<vmem>>, vector<1x512xi32>
    %swap3A_1259 = vector.shape_cast %swap3A_1258 : vector<1x512xi32> to vector<512xi32>
    %swap3A_1260 = vector.shape_cast %convert_element_type3A_1255 : vector<512xi32> to vector<1x512xi32>
    tpu.vector_store %arg3[%swap3A_1256, %swap3A_1257], %swap3A_1260 {strides = array<i32>} : memref<50x512xi32, #tpu.memory_space<vmem>>, vector<1x512xi32>,
    %jit3A_1261 = arith.constant 0xFF800000 : f32
    %broadcast_in_dim3A_1262 = vector.broadcast %jit3A_1261 : f32 to vector<1000x512xf32>
    %select_n3A_1263 = arith.select %eq3A_1249, %broadcast_in_dim3A_1262, %select_n3A_1236 : vector<1000x512xi1>, vector<1000x512xf32>
    %reduce_max3A_1264 = arith.constant dense<0xFF800000> : vector<512xf32>
    %reduce_max3A_1265 = vector.multi_reduction <maximumf>, %select_n3A_1263, %reduce_max3A_1264 [0] : vector<1000x512xf32> to vector<512xf32>
    %broadcast_in_dim3A_1266 = vector.shape_cast %reduce_max3A_1265 : vector<512xf32> to vector<1x512xf32>
    %eq3A_1267 = vector.broadcast %broadcast_in_dim3A_1266 : vector<1x512xf32> to vector<1000x512xf32>
    %eq3A_1268 = arith.cmpf oeq, %select_n3A_1263, %eq3A_1267 : vector<1000x512xf32>
    %jit3A_1269 = arith.constant 1.001000e+03 : f32
    %broadcast_in_dim3A_1270 = vector.broadcast %jit3A_1269 : f32 to vector<1000x512xf32>
    %select_n3A_1271 = arith.select %eq3A_1268, %convert_element_type3A, %broadcast_in_dim3A_1270 : vector<1000x512xi1>, vector<1000x512xf32>
    %reduce_min3A_1272 = arith.constant dense<0x7F800000> : vector<512xf32>
    %reduce_min3A_1273 = vector.multi_reduction <minimumf>, %select_n3A_1271, %reduce_min3A_1272 [0] : vector<1000x512xf32> to vector<512xf32>
    %broadcast_in_dim3A_1274 = vector.shape_cast %reduce_min3A_1273 : vector<512xf32> to vector<1x512xf32>
    %eq3A_1275 = vector.broadcast %broadcast_in_dim3A_1274 : vector<1x512xf32> to vector<1000x512xf32>
    %eq3A_1276 = arith.cmpf oeq, %select_n3A_1271, %eq3A_1275 : vector<1000x512xf32>
    %swap3A_1277 = arith.constant 47 : index
    %swap3A_1278 = arith.constant 0 : index
    %swap3A_1279 = vector.load %arg2[%swap3A_1277, %swap3A_1278] : memref<50x512xf32, #tpu.memory_space<vmem>>, vector<1x512xf32>
    %swap3A_1280 = vector.shape_cast %swap3A_1279 : vector<1x512xf32> to vector<512xf32>
    %swap3A_1281 = vector.shape_cast %reduce_max3A_1265 : vector<512xf32> to vector<1x512xf32>
    tpu.vector_store %arg2[%swap3A_1277, %swap3A_1278], %swap3A_1281 {strides = array<i32>} : memref<50x512xf32, #tpu.memory_space<vmem>>, vector<1x512xf32>,
    %convert_element_type3A_1282 = arith.fptosi %reduce_min3A_1273 : vector<512xf32> to vector<512xi32>
    %swap3A_1283 = arith.constant 47 : index
    %swap3A_1284 = arith.constant 0 : index
    %swap3A_1285 = vector.load %arg3[%swap3A_1283, %swap3A_1284] : memref<50x512xi32, #tpu.memory_space<vmem>>, vector<1x512xi32>
    %swap3A_1286 = vector.shape_cast %swap3A_1285 : vector<1x512xi32> to vector<512xi32>
    %swap3A_1287 = vector.shape_cast %convert_element_type3A_1282 : vector<512xi32> to vector<1x512xi32>
    tpu.vector_store %arg3[%swap3A_1283, %swap3A_1284], %swap3A_1287 {strides = array<i32>} : memref<50x512xi32, #tpu.memory_space<vmem>>, vector<1x512xi32>,
    %jit3A_1288 = arith.constant 0xFF800000 : f32
    %broadcast_in_dim3A_1289 = vector.broadcast %jit3A_1288 : f32 to vector<1000x512xf32>
    %select_n3A_1290 = arith.select %eq3A_1276, %broadcast_in_dim3A_1289, %select_n3A_1263 : vector<1000x512xi1>, vector<1000x512xf32>
    %reduce_max3A_1291 = arith.constant dense<0xFF800000> : vector<512xf32>
    %reduce_max3A_1292 = vector.multi_reduction <maximumf>, %select_n3A_1290, %reduce_max3A_1291 [0] : vector<1000x512xf32> to vector<512xf32>
    %broadcast_in_dim3A_1293 = vector.shape_cast %reduce_max3A_1292 : vector<512xf32> to vector<1x512xf32>
    %eq3A_1294 = vector.broadcast %broadcast_in_dim3A_1293 : vector<1x512xf32> to vector<1000x512xf32>
    %eq3A_1295 = arith.cmpf oeq, %select_n3A_1290, %eq3A_1294 : vector<1000x512xf32>
    %jit3A_1296 = arith.constant 1.001000e+03 : f32
    %broadcast_in_dim3A_1297 = vector.broadcast %jit3A_1296 : f32 to vector<1000x512xf32>
    %select_n3A_1298 = arith.select %eq3A_1295, %convert_element_type3A, %broadcast_in_dim3A_1297 : vector<1000x512xi1>, vector<1000x512xf32>
    %reduce_min3A_1299 = arith.constant dense<0x7F800000> : vector<512xf32>
    %reduce_min3A_1300 = vector.multi_reduction <minimumf>, %select_n3A_1298, %reduce_min3A_1299 [0] : vector<1000x512xf32> to vector<512xf32>
    %broadcast_in_dim3A_1301 = vector.shape_cast %reduce_min3A_1300 : vector<512xf32> to vector<1x512xf32>
    %eq3A_1302 = vector.broadcast %broadcast_in_dim3A_1301 : vector<1x512xf32> to vector<1000x512xf32>
    %eq3A_1303 = arith.cmpf oeq, %select_n3A_1298, %eq3A_1302 : vector<1000x512xf32>
    %swap3A_1304 = arith.constant 48 : index
    %swap3A_1305 = arith.constant 0 : index
    %swap3A_1306 = vector.load %arg2[%swap3A_1304, %swap3A_1305] : memref<50x512xf32, #tpu.memory_space<vmem>>, vector<1x512xf32>
    %swap3A_1307 = vector.shape_cast %swap3A_1306 : vector<1x512xf32> to vector<512xf32>
    %swap3A_1308 = vector.shape_cast %reduce_max3A_1292 : vector<512xf32> to vector<1x512xf32>
    tpu.vector_store %arg2[%swap3A_1304, %swap3A_1305], %swap3A_1308 {strides = array<i32>} : memref<50x512xf32, #tpu.memory_space<vmem>>, vector<1x512xf32>,
    %convert_element_type3A_1309 = arith.fptosi %reduce_min3A_1300 : vector<512xf32> to vector<512xi32>
    %swap3A_1310 = arith.constant 48 : index
    %swap3A_1311 = arith.constant 0 : index
    %swap3A_1312 = vector.load %arg3[%swap3A_1310, %swap3A_1311] : memref<50x512xi32, #tpu.memory_space<vmem>>, vector<1x512xi32>
    %swap3A_1313 = vector.shape_cast %swap3A_1312 : vector<1x512xi32> to vector<512xi32>
    %swap3A_1314 = vector.shape_cast %convert_element_type3A_1309 : vector<512xi32> to vector<1x512xi32>
    tpu.vector_store %arg3[%swap3A_1310, %swap3A_1311], %swap3A_1314 {strides = array<i32>} : memref<50x512xi32, #tpu.memory_space<vmem>>, vector<1x512xi32>,
    %jit3A_1315 = arith.constant 0xFF800000 : f32
    %broadcast_in_dim3A_1316 = vector.broadcast %jit3A_1315 : f32 to vector<1000x512xf32>
    %select_n3A_1317 = arith.select %eq3A_1303, %broadcast_in_dim3A_1316, %select_n3A_1290 : vector<1000x512xi1>, vector<1000x512xf32>
    %reduce_max3A_1318 = arith.constant dense<0xFF800000> : vector<512xf32>
    %reduce_max3A_1319 = vector.multi_reduction <maximumf>, %select_n3A_1317, %reduce_max3A_1318 [0] : vector<1000x512xf32> to vector<512xf32>
    %broadcast_in_dim3A_1320 = vector.shape_cast %reduce_max3A_1319 : vector<512xf32> to vector<1x512xf32>
    %eq3A_1321 = vector.broadcast %broadcast_in_dim3A_1320 : vector<1x512xf32> to vector<1000x512xf32>
    %eq3A_1322 = arith.cmpf oeq, %select_n3A_1317, %eq3A_1321 : vector<1000x512xf32>
    %jit3A_1323 = arith.constant 1.001000e+03 : f32
    %broadcast_in_dim3A_1324 = vector.broadcast %jit3A_1323 : f32 to vector<1000x512xf32>
    %select_n3A_1325 = arith.select %eq3A_1322, %convert_element_type3A, %broadcast_in_dim3A_1324 : vector<1000x512xi1>, vector<1000x512xf32>
    %reduce_min3A_1326 = arith.constant dense<0x7F800000> : vector<512xf32>
    %reduce_min3A_1327 = vector.multi_reduction <minimumf>, %select_n3A_1325, %reduce_min3A_1326 [0] : vector<1000x512xf32> to vector<512xf32>
    %swap3A_1328 = arith.constant 49 : index
    %swap3A_1329 = arith.constant 0 : index
    %swap3A_1330 = vector.load %arg2[%swap3A_1328, %swap3A_1329] : memref<50x512xf32, #tpu.memory_space<vmem>>, vector<1x512xf32>
    %swap3A_1331 = vector.shape_cast %swap3A_1330 : vector<1x512xf32> to vector<512xf32>
    %swap3A_1332 = vector.shape_cast %reduce_max3A_1319 : vector<512xf32> to vector<1x512xf32>
    tpu.vector_store %arg2[%swap3A_1328, %swap3A_1329], %swap3A_1332 {strides = array<i32>} : memref<50x512xf32, #tpu.memory_space<vmem>>, vector<1x512xf32>,
    %convert_element_type3A_1333 = arith.fptosi %reduce_min3A_1327 : vector<512xf32> to vector<512xi32>
    %swap3A_1334 = arith.constant 49 : index
    %swap3A_1335 = arith.constant 0 : index
    %swap3A_1336 = vector.load %arg3[%swap3A_1334, %swap3A_1335] : memref<50x512xi32, #tpu.memory_space<vmem>>, vector<1x512xi32>
    %swap3A_1337 = vector.shape_cast %swap3A_1336 : vector<1x512xi32> to vector<512xi32>
    %swap3A_1338 = vector.shape_cast %convert_element_type3A_1333 : vector<512xi32> to vector<1x512xi32>
    tpu.vector_store %arg3[%swap3A_1334, %swap3A_1335], %swap3A_1338 {strides = array<i32>} : memref<50x512xi32, #tpu.memory_space<vmem>>, vector<1x512xi32>,
    return
  }
  func.func @transform_0(%arg0: i32) -> (i32, i32) {
    %c0_i32 = arith.constant 0 : i32
    %c0_i32_0 = arith.constant 0 : i32
    return %c0_i32, %arg0 : i32, i32
  }
  func.func @transform_1(%arg0: i32) -> (i32, i32) {
    %c0_i32 = arith.constant 0 : i32
    %c0_i32_0 = arith.constant 0 : i32
    return %c0_i32, %arg0 : i32, i32
  }
  func.func @transform_2(%arg0: i32) -> (i32, i32) {
    %c0_i32 = arith.constant 0 : i32
    %c0_i32_0 = arith.constant 0 : i32
    return %c0_i32, %arg0 : i32, i32
  }
}

</mosaic_0001>

<sc_bundles>
// kernel: kernel.4.cloned.1.call-start
scs
__scs_entry_jumppad:
0x0: {  	(pc) =	sbr.rel $0x88, $3  }
0x1: {  	(tag) =	ssettag $0x0;
	lr =	simm.s32 $0x1  }
0x2: {  	[smem:$0x3F9F] =	sst lr;
	_ =	strace $0xD0000000  }
0x3: {  	_ = 	snop  }
0x4: {  	_ = 	snop  }
0x5: {  	_ = 	snop  }
0x6: {  	_ = 	snop  }
0x7: {  	_ = 	snop  }
__scs_overlays_trampoline_lowered:
0x8: {  	[smem:$0x3FAE] =	sst s0  }
0x9: {  	[smem:$0x3FAF] =	sst s1  }
0xa: {  	[smem:$0x3FB0] =	sst s2  }
0xb: {  	[smem:$0x3FB1] =	sst s3  }
0xc: {  	[smem:$0x3FB2] =	sst s4  }
0xd: {  	[smem:$0x3FB3] =	sst s5  }
0xe: {  	[smem:$0x3FB4] =	sst s6  }
0xf: {  	[smem:$0x3FB5] =	sst s7  }
0x10: {  	[smem:$0x3FB6] =	sst s8  }
0x11: {  	[smem:$0x3FB7] =	sst s9;
	s0 =	simm.s32 @!p0 $0x0  }
0x12: {  	s1 =	sld [smem:$0x3F9D];
	s0 =	simm.s32 @p0 $0x1  }
0x13: {  	[smem:$0x3FB8] =	sst s0;
	s0 =	simm.s32 @!p1 $0x0  }
0x14: {  	s2 =	sld [smem:$0x3F9C];
	s0 =	simm.s32 @p1 $0x1  }
0x15: {  	[smem:$0x3FB9] =	sst s0;
	s0 =	simm.s32 @!p2 $0x0  }
0x16: {  	s3 =	sld [smem:$0x3FDB];
	s0 =	simm.s32 @p2 $0x1  }
0x17: {  	s4 =	simm.s32 $0x1BF5;
	[smem:$0x3FBB] =	sst s0  }
0x18: {  	s0 =	sld [smem:$0x3F9E];
	_ =	swait.ge [sflag:s4], $0x0  }
0x19: {  	s7 =	sld [smem:$0x3F9F]  }
0x1a: {  	s8 =	sadd.s32 $0xFFFFE003, lr  }
0x1b: {  	s9 =	sadd.s32 $0xFFFFFEF7, lr;
	s5 =	simm.s32 $0xFFFFFFFF;
	p2 =	slt.u32 s8, $0xFFFFF086  }
0x1c: {  	p1 =	slt.u32 s9, $0xF7A;
	s5 =	simm.s32 @!p2 $0x0  }
0x1d: {  	s5 =	simm.s32 @p1 $0x1;
	p0 =	seq.s32 s7, s2  }
0x1e: {  	s7 =	smul.u32 @!p0 $0xF7A, s2;
	p2 =	seq.s32 @!p0 s5, $0x0  }
0x1f: {  	s9 =	smul.u32 $0xF7A, s1;
	s8 =	simm.s32 @!p0 $0x1BF5;
	p2 =	por !p2, p0  }
0x20: {  	[sflag:s8] =	ssyncset.s32 @!p0 $0xFFFFF086;
	s6 =	sadd.s32 @!p0 s3, s7;
	s7 =	simm.s32 @!p0 $0x108  }
0x21: {  	s3 =	sadd.s32 s3, s9;
	s6 =	sadd.s32 @!p0 $0x88, s6;
	s7 =	simm.s32 @p2 $0x1082  }
0x22: {  	[simem:s7], [sflag:s8] =	dma.local @!p0 [hbm:s6], $0xF7A  }
0x23: {  	s9 =	sor.u32 $0xD0000000, s2;
	s6 =	simm.s32 $0x108;
	_ =	swait.ge @!p0 [sflag:s8], $0x0  }
0x24: {  	s3 =	sadd.s32 $0x88, s3;
	s6 =	simm.s32 @!p1 $0x1082;
	[sflag:s4] =	ssyncset.s32 $0xFFFFF086  }
0x25: {  	[simem:s6], [sflag:s4] =	dma.local [hbm:s3], $0xF7A  }
0x26: {  	[smem:$0x3F9F] =	sst s1;
	(tag) =	ssettag s2;
	_ =	strace s9  }
0x27: {  	s1 =	sld [smem:$0x3FAF]  }
0x28: {  	s2 =	sld [smem:$0x3FB0]  }
0x29: {  	s4 =	sld [smem:$0x3FB2]  }
0x2a: {  	p0 =	seq.s32 s5, $0x0;
	s5 =	sld [smem:$0x3FB3]  }
0x2b: {  	s6 =	sld [smem:$0x3FB4]  }
0x2c: {  	s7 =	sld [smem:$0x3FB5]  }
0x2d: {  	s3 =	simm.s32 $0x108;
	s8 =	sld [smem:$0x3FB6]  }
0x2e: {  	s3 =	simm.s32 @!p0 $0x1082;
	s9 =	sld [smem:$0x3FB7]  }
0x2f: {  	lr =	sadd.s32 s0, s3;
	s0 =	sld [smem:$0x3FAE]  }
0x30: {  	s3 =	sld [smem:$0x3FB1]  }
0x31: {  	[smem:$0x3FBA] =	sst s10  }
0x32: {  	s10 =	sld [smem:$0x3FB8];
	_ =	sdelay $0x3  }
0x33: {  	p0 =	seq.s32 s10, $0x1;
	s10 =	sld [smem:$0x3FBA];
	_ =	sdelay $0x3  }
0x34: {  	[smem:$0x3FBA] =	sst s10  }
0x35: {  	s10 =	sld [smem:$0x3FB9];
	_ =	sdelay $0x3  }
0x36: {  	p1 =	seq.s32 s10, $0x1;
	s10 =	sld [smem:$0x3FBA];
	_ =	sdelay $0x3  }
0x37: {  	[smem:$0x3FBA] =	sst s10  }
0x38: {  	s10 =	sld [smem:$0x3FBB]  }
0x39: {  	_ = 	snop;
	(pc) =	sbr.ind lr, $3  }
0x3a: {  	_ = 	snop  }
0x3b: {  	_ = 	snop  }
0x3c: {  	p2 =	seq.s32 s10, $0x1;
	s10 =	sld [smem:$0x3FBA]  }
0x3d: {  	_ =	shalt  }
0x3e: {  	_ =	shalt  }
0x3f: {  	_ =	shalt  }
0x40: {  	_ =	shalt  }
0x41: {  	_ =	shalt  }
0x42: {  	_ =	shalt  }
0x43: {  	_ =	shalt  }
0x44: {  	_ =	shalt  }
0x45: {  	_ =	shalt  }
0x46: {  	_ =	shalt  }
0x47: {  	_ =	shalt  }
0x48: {  	_ =	shalt  }
0x49: {  	_ =	shalt  }
0x4a: {  	_ =	shalt  }
0x4b: {  	_ =	shalt  }
0x4c: {  	_ =	shalt  }
0x4d: {  	_ =	shalt  }
0x4e: {  	_ =	shalt  }
0x4f: {  	_ =	shalt  }
0x50: {  	_ =	shalt  }
0x51: {  	_ =	shalt  }
0x52: {  	_ =	shalt  }
0x53: {  	_ =	shalt  }
0x54: {  	_ =	shalt  }
0x55: {  	_ =	shalt  }
0x56: {  	_ =	shalt  }
0x57: {  	_ =	shalt  }
0x58: {  	_ =	shalt  }
0x59: {  	_ =	shalt  }
0x5a: {  	_ =	shalt  }
0x5b: {  	_ =	shalt  }
0x5c: {  	_ =	shalt  }
0x5d: {  	_ =	shalt  }
0x5e: {  	_ =	shalt  }
0x5f: {  	_ =	shalt  }
0x60: {  	_ =	shalt  }
0x61: {  	_ =	shalt  }
0x62: {  	_ =	shalt  }
0x63: {  	_ =	shalt  }
0x64: {  	_ =	shalt  }
0x65: {  	_ =	shalt  }
0x66: {  	_ =	shalt  }
0x67: {  	_ =	shalt  }
0x68: {  	_ =	shalt  }
0x69: {  	_ =	shalt  }
0x6a: {  	_ =	shalt  }
0x6b: {  	_ =	shalt  }
0x6c: {  	_ =	shalt  }
0x6d: {  	_ =	shalt  }
0x6e: {  	_ =	shalt  }
0x6f: {  	_ =	shalt  }
0x70: {  	_ =	shalt  }
0x71: {  	_ =	shalt  }
0x72: {  	_ =	shalt  }
0x73: {  	_ =	shalt  }
0x74: {  	_ =	shalt  }
0x75: {  	_ =	shalt  }
0x76: {  	_ =	shalt  }
0x77: {  	_ =	shalt  }
0x78: {  	_ =	shalt  }
0x79: {  	_ =	shalt  }
0x7a: {  	_ =	shalt  }
0x7b: {  	_ =	shalt  }
0x7c: {  	_ =	shalt  }
0x7d: {  	_ =	shalt  }
0x7e: {  	_ =	shalt  }
0x7f: {  	_ =	shalt  }
0x80: {  	_ =	shalt  }
0x81: {  	_ =	shalt  }
0x82: {  	_ =	shalt  }
0x83: {  	_ =	shalt  }
0x84: {  	_ =	shalt  }
0x85: {  	_ =	shalt  }
0x86: {  	_ =	shalt  }
0x87: {  	_ =	shalt  }
.Lfunc_end0:
.L_simem_size_0:
called_computation_lowered:
.L_overlay_start_0:
0x88: {  	s2 =	sld [smem:$0x3FD9]  }
0x89: {  	s3 =	sld [smem:$0x3FFE];
	_ =	sdelay $0x1  }
0x8a: {  	s1 =	srdreg.scid  }
0x8b: {  	s0 =	sand.u32 $0x1, s1  }
0x8c: {  	s14 =	sshll.u32 s0, $0xA;
	s2 =	sadd.s32 s3, s2  }
0x8d: {  	s2 =	sadd.s32 s2, s14  }
0x8e: {  	[smem:$0x3FC6] =	sst s2  }
0x8f: {  	_ = 	snop  }
0x90: {  	s2 =	sld [smem:$0x3FD0];
	_ =	sdelay $0x2  }
0x91: {  	s15 =	simm.s32 $0xA;
	s4 =	simm.s32 $0x10  }
0x92: {  	[smem:s4], [sflag:s15] =	dma.local [hbm:s2], $0x1  }
0x93: {  	_ =	swait.eq [sflag:s15], $0x1  }
0x94: {  	[sflag:s15] =	ssyncset.done $0x0  }
0x95: {  	[sflag:s15] =	ssyncadd.s32 $0xFFFFFFFF  }
0x96: {  	s16 =	sld [smem:$0x11];
	(tm) =	ssettm $0x1  }
0x97: {  	s17 =	sld [smem:$0x3FFB];
	_ =	sdelay $0x3  }
0x98: {  	_ =	strace s17  }
0x99: {  	s3 =	sld [smem:$0x3FFC];
	_ =	sdelay $0x3  }
0x9a: {  	_ =	strace s3  }
0x9b: {  	s3 =	sld [smem:$0x3FFD];
	_ =	sdelay $0x3  }
0x9c: {  	_ =	strace s3  }
0x9d: {  	_ =	strace $0x8FFFFFFF  }
0x9e: {  	s18 =	sld [smem:$0x3FDB];
	_ =	sdelay $0x1  }
0x9f: {  	s19 =	simm.s32 $_scs_section_size  }
0xa0: {  	s5 =	simm.s32 $_size__tile_overlayer_lowered;
	s6 =	simm.s32 $_tile_overlayer_lowered  }
0xa1: {  	s22 =	simm.s32 $0x1BFF;
	s21 =	sshll.u32 s6, $0x1;
	s3 =	sadd.s32 s19, s18  }
0xa2: {  	s7 =	simm.s32 $0x0;
	s20 =	sshll.u32 s5, $0x1;
	s5 =	sadd.s32 s21, s3  }
0xa3: {  	[timem:s7], [sflag:s22] =	dma.local [hbm:s5], s20  }
0xa4: {  	_ =	swait.ge [sflag:s22], s20  }
0xa5: {  	s4 =	ssub.s32 $0x0, s20;
	[sflag:s22] =	ssyncset.done $0x0  }
0xa6: {  	[sflag:s22] =	ssyncadd.s32 s4;
	_ =	sdelay $0x1  }
0xa7: {  	s23 =	simm.s32 $0x1B8B  }
0xa8: {  	_ =	swait.ge [sflag:s23], $0x1  }
0xa9: {  	[sflag:s23] =	ssyncset.done $0x0  }
0xaa: {  	s25 =	simm.s32 $0x1B8E;
	s24 =	sld [smem:$0x3FFE];
	[sflag:s23] =	ssyncadd.s32 $0xFFFFFFFF  }
0xab: {  	s26 =	simm.s32 $execute0_lowered;
	[smem:$0x3FD2] =	sst s25  }
0xac: {  	s5 =	sshll.u32 s26, $0x1;
	_ =	strace $0x80000046;
	[dreg:$0x1] =	wrdreg $0xFFFFFFFF  }
0xad: {  	s28 =	simm.s32 $_size_execute0_lowered;
	s3 =	sadd.s32 s3, s5;
	[dreg:$0x0] =	wrdreg $0x0  }
0xae: {  	s5 =	sshll.u32 s28, $0x1;
	[dreg:$0x2] =	wrdreg s3  }
0xaf: {  	[dreg:$0x3] =	wrdreg s5  }
0xb0: {  	[dreg:$0x4] =	wrdreg $0xC0  }
0xb1: {  	_ =	task [dreg:s7], $0x5FFFF  }
0xb2: {  	[dreg:$0x1] =	wrdreg $0xFFFFFFFF  }
0xb3: {  	[dreg:$0x0] =	wrdreg $0x60  }
0xb4: {  	[dreg:$0x2] =	wrdreg s24  }
0xb5: {  	[dreg:$0x3] =	wrdreg s16  }
0xb6: {  	[dreg:$0x4] =	wrdreg $0x9  }
0xb7: {  	_ =	task.clear_ibuf [dreg:s7], $0x5FFFF;
	_ =	strace $0x90000046  }
0xb8: {  	s29 =	simm.s32 $0x9;
	_ =	strace $0x80000048  }
0xb9: {  	_ =	swait.ge [sflag:s29], $0x1  }
0xba: {  	[sflag:s29] =	ssyncadd.s32 $0xFFFFFFFF  }
0xbb: {  	_ =	strace $0x90000048  }
0xbc: {  	_ =	sfence  }
0xbd: {  	s30 =	sld [smem:$0x0];
	_ =	sdelay $0x2  }
0xbe: {  	s31 =	sshll.u32 s1, $0xD;
	s1 =	sshrl.u32 s1, $0x2  }
0xbf: {  	s3 =	sand.u32 $0x4000, s31;
	s1 =	sadd.s32 s1, s30  }
0xc0: {  	s0 =	sor.u32 s3, s0;
	s1 =	sshll.u32 s1, $0x11  }
0xc1: {  	s0 =	sor.u32 s1, s0  }
0xc2: {  	s0 =	sadd.s32 $0x8F2B, s0  }
0xc3: {  	[sflag:s0] =	ssyncadd.remote.s32 $0x1  }
0xc4: {  	_ =	sfence.sel $0xFFFF  }
0xc5: {  	[dreg:$0x0] =	wrdreg $0xFFFFFFFF;
	(pc) =	sbr.abs _section_cstart, $3  }
0xc6: {  	[dreg:$0x1] =	wrdreg $0xFFFFFFFF  }
0xc7: {  	_ =	task.clear_ibuf [dreg:s7], $0x2FFFF;
	_ =	strace $0x9FFFFFFF  }
0xc8: {  	(tm) =	ssettm $0x7FFFFFFF  }
0xc9: {  	_ =	shalt  }
tec
execute0_lowered:
.L_overlay_start_1:
0x0: {  	(tag) =	ssettag $0x1  }
0x1: {  	s4 =	rddreg [dreg:$0x0]  }
0x2: {  	s1 =	srdreg.scid;
	s0 =	stileid.u32  }
0x3: {  	s5 =	rddreg [dreg:$0x1];
	s2 =	simm.s32 $0x0;
	s10 =	simm.s32 $0x0  }
0x4: {  	s3 =	sand.u32 $0x1, s1;
	s6 =	sshll.u32 s0, $0x1;
	s1 =	rddreg [dreg:$0x2]  }
0x5: {  	[smem:$0x7FF] =	sst s2;
	s6 =	sor.u32 s3, s6;
	s7 =	ssub.s32 $0x2, s3  }
0x6: {  	_ =	strace $0x80000047;
	s6 =	smul.u32 $0xC80, s6;
	s8 =	sshrl.u32 s7, $0x1  }
0x7: {  	s3 =	sadd.s32 $0x800, s4;
	s7 =	ssub.s32 s7, s8;
	s8 =	simm.s32 $0x400  }
0x8: {  	s9 =	sadd.s32 s6, s4;
	s4 =	sadd.s32 s5, s6;
	s6 =	smax.u32 s7, $0x1  }
0x9: {  	s7 =	simm.s32 $0x1;
	s5 =	sadd.s32 $0xA00, s9;
	s9 =	simm.s32 $0x6800  }
.LBB2_1:
0xa: {  	[tilespmem:s2], [sflag:$0x1] =	stream.linear.gather [hbm4b:s3+s2], $0x400, $0x38;
	[tilespmem:$0xCC00] =	vst v63  }
0xb: {  	_ =	swait.ge [sflag:s7], $0x400  }
0xc: {  	[sflag:s7] =	ssyncset.done $0x0  }
0xd: {  	[sflag:s7] =	ssyncadd.s32 $0xFFFFFC00  }
0xe: {  	[tilespmem:s8], [sflag:$0x1] =	stream.linear.gather [hbm4b:s4+s2], $0x6400, $0x38;
	[tilespmem:$0xCC00] =	vst v63  }
0xf: {  	_ =	swait.ge [sflag:s7], $0x6400  }
0x10: {  	[sflag:s7] =	ssyncset.done $0x0  }
0x11: {  	s11 =	simm.s32 $0x0;
	[sflag:s7] =	ssyncadd.s32 $0xFFFF9C00  }
0x12: {  	v0 =	vld [tilespmem:s11+$0x400];
	_ =	sdelay $0x7  }
0x13: {  	s12 =	simm.s32 $0x10;
	s13 =	simm.s32 $0x80;
	v0 =	vld.idx.msk [tilespmem:v0+s2+$0x0], $0xffff  }
.LBB2_2:
0x14: {  	p0 =	sne.s32 s13, $0x18FC0;
	v1 =	vld [tilespmem:s12+$0x400];
	_ =	sdelay $0x3  }
.Ltmp0:
0x15: {  	(pc) =	sbr.rel @p0 .LBB2_2-.Ltmp0, $2  }
0x16: {  	[tilespmem:s11+$0x6800] =	vst v0;
	s11 =	smov.u32 s12;
	_ =	sdelay $0x2  }
0x17: {  	s12 =	sshra.s32 s13, $0x2;
	s13 =	sadd.s32 $0x40, s13;
	v0 =	vld.idx.msk [tilespmem:v1+s2+$0x0], $0xffff  }
0x18: {  	v1 =	vld [tilespmem:s12+$0x400];
	_ =	sdelay $0x6  }
0x19: {  	[tilespmem:s11+$0x6800] =	vst v0  }
0x1a: {  	v0 =	vld.idx.msk [tilespmem:v1+s2+$0x0], $0xffff;
	_ =	sdelay $0x2  }
0x1b: {  	s10 =	sadd.s32 $0x1, s10  }
0x1c: {  	p0 =	sne.s32 s10, s6  }
.Ltmp1:
0x1d: {  	[tilespmem:s12+$0x6800] =	vst v0;
	(pc) =	sbr.rel @p0 .LBB2_1-.Ltmp1, $4  }
0x1e: {  	[hbm4b:s5+s2] =	stream.linear.scatter [tilespmem:s9], [sflag:$0x1], $0x6400, $0x38;
	[tilespmem:$0xCC00] =	vst v63  }
0x1f: {  	_ =	swait.ge [sflag:s7], $0x6400  }
0x20: {  	[sflag:s7] =	ssyncset.done $0x0  }
0x21: {  	[sflag:s7] =	ssyncadd.s32 $0xFFFF9C00  }
0x22: {  	_ =	sfence.sel $0x180000  }
0x23: {  	[bflag:$0x0] =	sbarrier.arrive $0xFFFF  }
0x24: {  	p0 =	sne.s32 s0, $0x0;
	_ =	strace $0x90000047  }
0x25: {  	s0 =	sadd.s32 @!p0 $0x100000, s1;
	[bflag:$0x2] =	sbarrier.arrive $0xFFFF  }
0x26: {  	[sflag:s0] =	ssyncadd.tile.s32 @!p0 $0x1;
	_ =	shalt  }
.Lfunc_end2:
_tile_overlayer_lowered:
.L_overlay_start_2:
0x27: {  	(tag) =	ssettag $0x2  }
0x28: {  	s0 =	rddreg [dreg:$0x0];
	s2 =	stileid.u32  }
0x29: {  	s1 =	rddreg [dreg:$0x1];
	p0 =	sne.s32 s2, $0x0  }
0x2a: {  	s3 =	rddreg [dreg:$0x2];
	[bflag:$0x3] =	sbarrier.arrive $0xFFFF;
	s2 =	simm.s32 @!p0 $0x1C01  }
0x2b: {  	[timem:s3], [sflag:s2] =	dma.local @!p0 [hbm:s0], s1  }
0x2c: {  	s0 =	simm.s32 @!p0 $0x1  }
0x2d: {  	_ =	swait.ge @!p0 [sflag:s0], s1  }
0x2e: {  	s1 =	ssub.s32 @!p0 $0x0, s1;
	[sflag:s0] =	ssyncset.done @!p0 $0x0  }
0x2f: {  	[sflag:s0] =	ssyncadd.s32 @!p0 s1  }
0x30: {  	[bflag:$0x3] =	sbarrier.arrive $0xFFFF  }
0x31: {  	_ =	shalt  }

</sc_bundles>
